<compile_context>
chip_gen: v7x
topology: tpu7x:2x2x1
jax: 0.10.2.dev20260603
libtpu: 0.0.44.dev20260713+nightly
codegen_flags: <defaults>
</compile_context>

<pallas_src>
import functools

import jax
import jax.numpy as jnp
from jax import lax
from jax.experimental import pallas as pl
from jax.experimental.pallas import tpu as pltpu
from jax.experimental.pallas import tpu_sc as plsc

_HIDDEN = 128
_CHUNK = 128
_NC = 2
_NS = 16
_NW = _NC * _NS
_NBUF = 6
_LEAD = 4


def _emb_body(ids_hbm, table_hbm, out_hbm, idx_v, rows_v, *sems):
    gsems = sems[:_NBUF]
    wsems = sems[_NBUF:]
    wid = lax.axis_index("s") * _NC + lax.axis_index("c")
    n = ids_hbm.shape[1]
    slack = _NBUF - _LEAD
    pltpu.sync_copy(ids_hbm.at[wid], idx_v)
    obase = wid * n

    def start_gather(j, b):
        pltpu.async_copy(table_hbm.at[idx_v.at[j]], rows_v.at[b], gsems[b])

    def wait_gather(j, b):
        pltpu.make_async_copy(
            table_hbm.at[idx_v.at[j]], rows_v.at[b], gsems[b]).wait()

    def start_write(j, b):
        pltpu.async_copy(rows_v.at[b], out_hbm.at[obase + j], wsems[b])

    def wait_write(j, b):
        pltpu.make_async_copy(
            rows_v.at[b], out_hbm.at[obase + j], wsems[b]).wait()

    for j in range(_LEAD):
        start_gather(j, j % _NBUF)

    for wp in range(_NBUF):
        b = wp % _NBUF
        wait_gather(wp, b)
        start_write(wp, b)
        b2 = (wp + _LEAD) % _NBUF
        if wp >= slack:
            wait_write(wp - slack, b2)
        start_gather(wp + _LEAD, b2)

    def group(gi, carry):
        for k in range(_NBUF):
            wp = _NBUF + _NBUF * gi + k
            b = k
            b2 = (k + _LEAD) % _NBUF
            wait_gather(wp, b)
            start_write(wp, b)
            wait_write(wp - slack, b2)
            start_gather(wp + _LEAD, b2)
        return carry

    ngroups = (n - 2 * _NBUF) // _NBUF
    lax.fori_loop(0, ngroups, group, 0)
    core_end = _NBUF * (1 + ngroups)

    for wp in range(core_end, n):
        b = wp % _NBUF
        wait_gather(wp, b)
        start_write(wp, b)
        if wp + _LEAD < n:
            b2 = (wp + _LEAD) % _NBUF
            wait_write(wp - slack, b2)
            start_gather(wp + _LEAD, b2)

    for wp in range(n - _NBUF, n):
        wait_write(wp, wp % _NBUF)


def kernel(token_ids, table):
    batch, seq = token_ids.shape
    total = batch * seq
    nchunk = total // (_NW * _CHUNK)
    ids = token_ids.astype(jnp.int32).reshape(_NW, nchunk, _CHUNK)

    mesh = plsc.VectorSubcoreMesh(core_axis_name="c", subcore_axis_name="s")
    emb = functools.partial(
        pl.kernel,
        mesh=mesh,
        out_type=jax.ShapeDtypeStruct((_NW * nchunk, _CHUNK, _HIDDEN),
                                      jnp.float32),
        scratch_types=(
            [pltpu.VMEM((nchunk, _CHUNK), jnp.int32),
             pltpu.VMEM((_NBUF, _CHUNK, _HIDDEN), jnp.float32)]
            + [pltpu.SemaphoreType.DMA] * (2 * _NBUF)
        ),
    )(_emb_body)

    out = emb(ids, table)
    return out.reshape(batch, seq, _HIDDEN)

# --- scband reference (transcript-rebuilt; emitter-appended) ---
"""Pipeline reference for scband-embeddings-11982958756116 (READ-ONLY COPY).

The authoritative reference and input builder live on the scoring server;
editing this copy changes nothing except your own understanding.
"""

import jax, jax.numpy as jnp
import numpy as np

VOCAB = 100000
HIDDEN = 128
BATCH = 4096
SEQ = 200

def setup_inputs(seed: int = 0) -> dict:
    key = jax.random.key(seed)
    k_ids, k_w = jax.random.split(key)
    token_ids = jax.random.randint(k_ids, (BATCH, SEQ), 0, VOCAB, dtype=jnp.int64 if jax.config.jax_enable_x64 else jnp.int32)
    # nn.Embedding default init: N(0, 1)
    table = jax.random.normal(k_w, (VOCAB, HIDDEN), dtype=jnp.float32)
    # post_init_reset_parameters zeroes the pad row (pad_token_id=0)
    table = table.at[0].set(0.0)
    return {"token_ids": token_ids, "table": table}

def reference(token_ids, table):
    # Embeddings.forward: embedding lookup followed by dropout (rate=0.0 -> identity)
    hidden_states = jnp.take(table, token_ids, axis=0)
    return hidden_states

if __name__ == "__main__":
    import jax
    _d = setup_inputs()
    print(jax.jit(kernel)(*tuple(_d.values())))

</pallas_src>

<mosaic_0001>
#map = affine_map<(d0, d1) -> (0, 0, 0)>
#map1 = affine_map<(d0, d1) -> (0, 0)>
module attributes {stable_mosaic.version = 14 : i64} {
  func.func @_emb_body(%arg0: i32, %arg1: i32, %arg2: memref<32x200x128xi32, #tpu.memory_space<hbm>>, %arg3: memref<100000x128xf32, #tpu.memory_space<hbm>>, %arg4: memref<6400x128x128xf32, #tpu.memory_space<hbm>>, %arg5: memref<200x128xi32, #tpu.memory_space<vmem>>, %arg6: memref<6x128x128xf32, #tpu.memory_space<vmem>>, %arg7: memref<!tpu.dma_semaphore, #tpu.memory_space<semaphore_mem>>, %arg8: memref<!tpu.dma_semaphore, #tpu.memory_space<semaphore_mem>>, %arg9: memref<!tpu.dma_semaphore, #tpu.memory_space<semaphore_mem>>, %arg10: memref<!tpu.dma_semaphore, #tpu.memory_space<semaphore_mem>>, %arg11: memref<!tpu.dma_semaphore, #tpu.memory_space<semaphore_mem>>, %arg12: memref<!tpu.dma_semaphore, #tpu.memory_space<semaphore_mem>>, %arg13: memref<!tpu.dma_semaphore, #tpu.memory_space<semaphore_mem>>, %arg14: memref<!tpu.dma_semaphore, #tpu.memory_space<semaphore_mem>>, %arg15: memref<!tpu.dma_semaphore, #tpu.memory_space<semaphore_mem>>, %arg16: memref<!tpu.dma_semaphore, #tpu.memory_space<semaphore_mem>>, %arg17: memref<!tpu.dma_semaphore, #tpu.memory_space<semaphore_mem>>, %arg18: memref<!tpu.dma_semaphore, #tpu.memory_space<semaphore_mem>>) attributes {dimension_semantics = [#tpu.dimension_semantics<core_parallel>, #tpu.dimension_semantics<subcore_parallel>], iteration_bounds = array<i64: 2, 16>, scalar_prefetch = 0 : i64, scratch_operands = 14 : i64, tpu.core_type = #tpu.core_type<sc_vector_subcore>, window_params = [{transform_indices = #map}, {transform_indices = #map1}, {transform_indices = #map}]} {
    %mul3A = arith.constant 2 : i32
    %mul3A_0 = arith.muli %arg1, %mul3A : i32
    %add3A = arith.addi %mul3A_0, %arg0 : i32
    "tpu.region"() ({
      %run_scoped3A = tpu.sem_alloc : memref<!tpu.dma_semaphore, #tpu.memory_space<semaphore_mem>>
      %dma_start3A_874 = arith.constant 0 : i32
      %dma_start3A_875 = arith.constant 0 : i32
      %dma_start3A_876 = tpu.memref_slice %arg2[%add3A, %dma_start3A_874, %dma_start3A_875] : memref<32x200x128xi32, #tpu.memory_space<hbm>> -> memref<1x200x128xi32, #tpu.memory_space<hbm>>
      %dma_start3A_877 = tpu.memref_squeeze %dma_start3A_876 : memref<1x200x128xi32, #tpu.memory_space<hbm>> -> memref<200x128xi32, #tpu.memory_space<hbm>>
      %dma_start3A_878 = arith.constant 0 : i32
      %dma_start3A_879 = arith.constant 0 : i32
      %dma_start3A_880 = tpu.memref_slice %arg2[%add3A, %dma_start3A_878, %dma_start3A_879] : memref<32x200x128xi32, #tpu.memory_space<hbm>> -> memref<1x200x128xi32, #tpu.memory_space<hbm>>
      %dma_start3A_881 = tpu.memref_squeeze %dma_start3A_880 : memref<1x200x128xi32, #tpu.memory_space<hbm>> -> memref<200x128xi32, #tpu.memory_space<hbm>>
      tpu.enqueue_dma source(%dma_start3A_881 : memref<200x128xi32, #tpu.memory_space<hbm>>) target(%arg5 : memref<200x128xi32, #tpu.memory_space<vmem>>) target_semaphore(%run_scoped3A : memref<!tpu.dma_semaphore, #tpu.memory_space<semaphore_mem>>)
      %dma_wait3A_882 = arith.constant 0 : i32
      %dma_wait3A_883 = arith.constant 0 : i32
      %dma_wait3A_884 = tpu.memref_slice %arg2[%add3A, %dma_wait3A_882, %dma_wait3A_883] : memref<32x200x128xi32, #tpu.memory_space<hbm>> -> memref<1x200x128xi32, #tpu.memory_space<hbm>>
      %dma_wait3A_885 = tpu.memref_squeeze %dma_wait3A_884 : memref<1x200x128xi32, #tpu.memory_space<hbm>> -> memref<200x128xi32, #tpu.memory_space<hbm>>
      %dma_wait3A_886 = arith.constant 0 : i32
      %dma_wait3A_887 = arith.constant 0 : i32
      %dma_wait3A_888 = tpu.memref_slice %arg2[%add3A, %dma_wait3A_886, %dma_wait3A_887] : memref<32x200x128xi32, #tpu.memory_space<hbm>> -> memref<1x200x128xi32, #tpu.memory_space<hbm>>
      %dma_wait3A_889 = tpu.memref_squeeze %dma_wait3A_888 : memref<1x200x128xi32, #tpu.memory_space<hbm>> -> memref<200x128xi32, #tpu.memory_space<hbm>>
      tpu.wait_dma2 semaphore(%run_scoped3A : memref<!tpu.dma_semaphore, #tpu.memory_space<semaphore_mem>>) src(%dma_wait3A_889 : memref<200x128xi32, #tpu.memory_space<hbm>>) dst(%arg5 : memref<200x128xi32, #tpu.memory_space<vmem>>)
      tpu.yield
    }) : () -> ()
    %mul3A_1 = arith.constant 200 : i32
    %mul3A_2 = arith.muli %add3A, %mul3A_1 : i32
    %dma_start3A = arith.constant 0 : i32
    %dma_start3A_3 = arith.constant 0 : i32
    %dma_start3A_4 = arith.constant 0 : i32
    %dma_start3A_5 = arith.constant 0 : i32
    %dma_start3A_6 = tpu.memref_slice %arg6[%dma_start3A_3, %dma_start3A_4, %dma_start3A_5] : memref<6x128x128xf32, #tpu.memory_space<vmem>> -> memref<1x128x128xf32, #tpu.memory_space<vmem>>
    %dma_start3A_7 = tpu.memref_squeeze %dma_start3A_6 : memref<1x128x128xf32, #tpu.memory_space<vmem>> -> memref<128x128xf32, #tpu.memory_space<vmem>>
    %dma_start3A_8 = arith.constant 0 : i32
    %dma_start3A_9 = tpu.memref_slice %arg5[%dma_start3A, %dma_start3A_8] : memref<200x128xi32, #tpu.memory_space<vmem>> -> memref<1x128xi32, #tpu.memory_space<vmem>>
    %dma_start3A_10 = tpu.memref_squeeze %dma_start3A_9 : memref<1x128xi32, #tpu.memory_space<vmem>> -> memref<128xi32, #tpu.memory_space<vmem>>
    %dma_start3A_11 = arith.constant 0 : i32
    %dma_start3A_12 = arith.constant 0 : i32
    %dma_start3A_13 = tpu.memref_slice %arg3[%dma_start3A_11, %dma_start3A_12] : memref<100000x128xf32, #tpu.memory_space<hbm>> -> memref<100000x128xf32, #tpu.memory_space<hbm>>
    tpu.enqueue_indirect_dma source(%dma_start3A_13 : memref<100000x128xf32, #tpu.memory_space<hbm>>) target(%dma_start3A_7 : memref<128x128xf32, #tpu.memory_space<vmem>>) offsets(%dma_start3A_10 : memref<128xi32, #tpu.memory_space<vmem>>) semaphore(%arg7 : memref<!tpu.dma_semaphore, #tpu.memory_space<semaphore_mem>>)
    %dma_start3A_14 = arith.constant 1 : i32
    %dma_start3A_15 = arith.constant 1 : i32
    %dma_start3A_16 = arith.constant 0 : i32
    %dma_start3A_17 = arith.constant 0 : i32
    %dma_start3A_18 = tpu.memref_slice %arg6[%dma_start3A_15, %dma_start3A_16, %dma_start3A_17] : memref<6x128x128xf32, #tpu.memory_space<vmem>> -> memref<1x128x128xf32, #tpu.memory_space<vmem>>
    %dma_start3A_19 = tpu.memref_squeeze %dma_start3A_18 : memref<1x128x128xf32, #tpu.memory_space<vmem>> -> memref<128x128xf32, #tpu.memory_space<vmem>>
    %dma_start3A_20 = arith.constant 0 : i32
    %dma_start3A_21 = tpu.memref_slice %arg5[%dma_start3A_14, %dma_start3A_20] : memref<200x128xi32, #tpu.memory_space<vmem>> -> memref<1x128xi32, #tpu.memory_space<vmem>>
    %dma_start3A_22 = tpu.memref_squeeze %dma_start3A_21 : memref<1x128xi32, #tpu.memory_space<vmem>> -> memref<128xi32, #tpu.memory_space<vmem>>
    %dma_start3A_23 = arith.constant 0 : i32
    %dma_start3A_24 = arith.constant 0 : i32
    %dma_start3A_25 = tpu.memref_slice %arg3[%dma_start3A_23, %dma_start3A_24] : memref<100000x128xf32, #tpu.memory_space<hbm>> -> memref<100000x128xf32, #tpu.memory_space<hbm>>
    tpu.enqueue_indirect_dma source(%dma_start3A_25 : memref<100000x128xf32, #tpu.memory_space<hbm>>) target(%dma_start3A_19 : memref<128x128xf32, #tpu.memory_space<vmem>>) offsets(%dma_start3A_22 : memref<128xi32, #tpu.memory_space<vmem>>) semaphore(%arg8 : memref<!tpu.dma_semaphore, #tpu.memory_space<semaphore_mem>>)
    %dma_start3A_26 = arith.constant 2 : i32
    %dma_start3A_27 = arith.constant 2 : i32
    %dma_start3A_28 = arith.constant 0 : i32
    %dma_start3A_29 = arith.constant 0 : i32
    %dma_start3A_30 = tpu.memref_slice %arg6[%dma_start3A_27, %dma_start3A_28, %dma_start3A_29] : memref<6x128x128xf32, #tpu.memory_space<vmem>> -> memref<1x128x128xf32, #tpu.memory_space<vmem>>
    %dma_start3A_31 = tpu.memref_squeeze %dma_start3A_30 : memref<1x128x128xf32, #tpu.memory_space<vmem>> -> memref<128x128xf32, #tpu.memory_space<vmem>>
    %dma_start3A_32 = arith.constant 0 : i32
    %dma_start3A_33 = tpu.memref_slice %arg5[%dma_start3A_26, %dma_start3A_32] : memref<200x128xi32, #tpu.memory_space<vmem>> -> memref<1x128xi32, #tpu.memory_space<vmem>>
    %dma_start3A_34 = tpu.memref_squeeze %dma_start3A_33 : memref<1x128xi32, #tpu.memory_space<vmem>> -> memref<128xi32, #tpu.memory_space<vmem>>
    %dma_start3A_35 = arith.constant 0 : i32
    %dma_start3A_36 = arith.constant 0 : i32
    %dma_start3A_37 = tpu.memref_slice %arg3[%dma_start3A_35, %dma_start3A_36] : memref<100000x128xf32, #tpu.memory_space<hbm>> -> memref<100000x128xf32, #tpu.memory_space<hbm>>
    tpu.enqueue_indirect_dma source(%dma_start3A_37 : memref<100000x128xf32, #tpu.memory_space<hbm>>) target(%dma_start3A_31 : memref<128x128xf32, #tpu.memory_space<vmem>>) offsets(%dma_start3A_34 : memref<128xi32, #tpu.memory_space<vmem>>) semaphore(%arg9 : memref<!tpu.dma_semaphore, #tpu.memory_space<semaphore_mem>>)
    %dma_start3A_38 = arith.constant 3 : i32
    %dma_start3A_39 = arith.constant 3 : i32
    %dma_start3A_40 = arith.constant 0 : i32
    %dma_start3A_41 = arith.constant 0 : i32
    %dma_start3A_42 = tpu.memref_slice %arg6[%dma_start3A_39, %dma_start3A_40, %dma_start3A_41] : memref<6x128x128xf32, #tpu.memory_space<vmem>> -> memref<1x128x128xf32, #tpu.memory_space<vmem>>
    %dma_start3A_43 = tpu.memref_squeeze %dma_start3A_42 : memref<1x128x128xf32, #tpu.memory_space<vmem>> -> memref<128x128xf32, #tpu.memory_space<vmem>>
    %dma_start3A_44 = arith.constant 0 : i32
    %dma_start3A_45 = tpu.memref_slice %arg5[%dma_start3A_38, %dma_start3A_44] : memref<200x128xi32, #tpu.memory_space<vmem>> -> memref<1x128xi32, #tpu.memory_space<vmem>>
    %dma_start3A_46 = tpu.memref_squeeze %dma_start3A_45 : memref<1x128xi32, #tpu.memory_space<vmem>> -> memref<128xi32, #tpu.memory_space<vmem>>
    %dma_start3A_47 = arith.constant 0 : i32
    %dma_start3A_48 = arith.constant 0 : i32
    %dma_start3A_49 = tpu.memref_slice %arg3[%dma_start3A_47, %dma_start3A_48] : memref<100000x128xf32, #tpu.memory_space<hbm>> -> memref<100000x128xf32, #tpu.memory_space<hbm>>
    tpu.enqueue_indirect_dma source(%dma_start3A_49 : memref<100000x128xf32, #tpu.memory_space<hbm>>) target(%dma_start3A_43 : memref<128x128xf32, #tpu.memory_space<vmem>>) offsets(%dma_start3A_46 : memref<128xi32, #tpu.memory_space<vmem>>) semaphore(%arg10 : memref<!tpu.dma_semaphore, #tpu.memory_space<semaphore_mem>>)
    %dma_wait3A = arith.constant 0 : i32
    %dma_wait3A_50 = arith.constant 0 : i32
    %dma_wait3A_51 = arith.constant 0 : i32
    %dma_wait3A_52 = arith.constant 0 : i32
    %dma_wait3A_53 = tpu.memref_slice %arg6[%dma_wait3A_50, %dma_wait3A_51, %dma_wait3A_52] : memref<6x128x128xf32, #tpu.memory_space<vmem>> -> memref<1x128x128xf32, #tpu.memory_space<vmem>>
    %dma_wait3A_54 = tpu.memref_squeeze %dma_wait3A_53 : memref<1x128x128xf32, #tpu.memory_space<vmem>> -> memref<128x128xf32, #tpu.memory_space<vmem>>
    %dma_wait3A_55 = arith.constant 0 : i32
    %dma_wait3A_56 = tpu.memref_slice %arg5[%dma_wait3A, %dma_wait3A_55] : memref<200x128xi32, #tpu.memory_space<vmem>> -> memref<1x128xi32, #tpu.memory_space<vmem>>
    %dma_wait3A_57 = tpu.memref_squeeze %dma_wait3A_56 : memref<1x128xi32, #tpu.memory_space<vmem>> -> memref<128xi32, #tpu.memory_space<vmem>>
    %dma_wait3A_58 = arith.constant 0 : i32
    %dma_wait3A_59 = arith.constant 0 : i32
    %dma_wait3A_60 = tpu.memref_slice %arg3[%dma_wait3A_58, %dma_wait3A_59] : memref<100000x128xf32, #tpu.memory_space<hbm>> -> memref<100000x128xf32, #tpu.memory_space<hbm>>
    tpu.wait_indirect_dma semaphore(%arg7 : memref<!tpu.dma_semaphore, #tpu.memory_space<semaphore_mem>>) src(%dma_wait3A_60 : memref<100000x128xf32, #tpu.memory_space<hbm>>) dst(%dma_wait3A_54 : memref<128x128xf32, #tpu.memory_space<vmem>>)
    %add3A_61 = arith.constant 0 : i32
    %add3A_62 = arith.addi %mul3A_2, %add3A_61 : i32
    %dma_start3A_63 = arith.constant 0 : i32
    %dma_start3A_64 = arith.constant 0 : i32
    %dma_start3A_65 = arith.constant 0 : i32
    %dma_start3A_66 = tpu.memref_slice %arg6[%dma_start3A_63, %dma_start3A_64, %dma_start3A_65] : memref<6x128x128xf32, #tpu.memory_space<vmem>> -> memref<1x128x128xf32, #tpu.memory_space<vmem>>
    %dma_start3A_67 = tpu.memref_squeeze %dma_start3A_66 : memref<1x128x128xf32, #tpu.memory_space<vmem>> -> memref<128x128xf32, #tpu.memory_space<vmem>>
    %dma_start3A_68 = arith.constant 0 : i32
    %dma_start3A_69 = arith.constant 0 : i32
    %dma_start3A_70 = tpu.memref_slice %arg4[%add3A_62, %dma_start3A_68, %dma_start3A_69] : memref<6400x128x128xf32, #tpu.memory_space<hbm>> -> memref<1x128x128xf32, #tpu.memory_space<hbm>>
    %dma_start3A_71 = tpu.memref_squeeze %dma_start3A_70 : memref<1x128x128xf32, #tpu.memory_space<hbm>> -> memref<128x128xf32, #tpu.memory_space<hbm>>
    %dma_start3A_72 = arith.constant 0 : i32
    %dma_start3A_73 = arith.constant 0 : i32
    %dma_start3A_74 = tpu.memref_slice %arg4[%add3A_62, %dma_start3A_72, %dma_start3A_73] : memref<6400x128x128xf32, #tpu.memory_space<hbm>> -> memref<1x128x128xf32, #tpu.memory_space<hbm>>
    %dma_start3A_75 = tpu.memref_squeeze %dma_start3A_74 : memref<1x128x128xf32, #tpu.memory_space<hbm>> -> memref<128x128xf32, #tpu.memory_space<hbm>>
    %dma_start3A_76 = arith.constant 0 : i32
    %dma_start3A_77 = arith.constant 0 : i32
    %dma_start3A_78 = tpu.memref_slice %arg6[%dma_start3A_63, %dma_start3A_76, %dma_start3A_77] : memref<6x128x128xf32, #tpu.memory_space<vmem>> -> memref<1x128x128xf32, #tpu.memory_space<vmem>>
    %dma_start3A_79 = tpu.memref_squeeze %dma_start3A_78 : memref<1x128x128xf32, #tpu.memory_space<vmem>> -> memref<128x128xf32, #tpu.memory_space<vmem>>
    tpu.enqueue_dma source(%dma_start3A_79 : memref<128x128xf32, #tpu.memory_space<vmem>>) target(%dma_start3A_75 : memref<128x128xf32, #tpu.memory_space<hbm>>) target_semaphore(%arg13 : memref<!tpu.dma_semaphore, #tpu.memory_space<semaphore_mem>>)
    %dma_start3A_80 = arith.constant 4 : i32
    %dma_start3A_81 = arith.constant 4 : i32
    %dma_start3A_82 = arith.constant 0 : i32
    %dma_start3A_83 = arith.constant 0 : i32
    %dma_start3A_84 = tpu.memref_slice %arg6[%dma_start3A_81, %dma_start3A_82, %dma_start3A_83] : memref<6x128x128xf32, #tpu.memory_space<vmem>> -> memref<1x128x128xf32, #tpu.memory_space<vmem>>
    %dma_start3A_85 = tpu.memref_squeeze %dma_start3A_84 : memref<1x128x128xf32, #tpu.memory_space<vmem>> -> memref<128x128xf32, #tpu.memory_space<vmem>>
    %dma_start3A_86 = arith.constant 0 : i32
    %dma_start3A_87 = tpu.memref_slice %arg5[%dma_start3A_80, %dma_start3A_86] : memref<200x128xi32, #tpu.memory_space<vmem>> -> memref<1x128xi32, #tpu.memory_space<vmem>>
    %dma_start3A_88 = tpu.memref_squeeze %dma_start3A_87 : memref<1x128xi32, #tpu.memory_space<vmem>> -> memref<128xi32, #tpu.memory_space<vmem>>
    %dma_start3A_89 = arith.constant 0 : i32
    %dma_start3A_90 = arith.constant 0 : i32
    %dma_start3A_91 = tpu.memref_slice %arg3[%dma_start3A_89, %dma_start3A_90] : memref<100000x128xf32, #tpu.memory_space<hbm>> -> memref<100000x128xf32, #tpu.memory_space<hbm>>
    tpu.enqueue_indirect_dma source(%dma_start3A_91 : memref<100000x128xf32, #tpu.memory_space<hbm>>) target(%dma_start3A_85 : memref<128x128xf32, #tpu.memory_space<vmem>>) offsets(%dma_start3A_88 : memref<128xi32, #tpu.memory_space<vmem>>) semaphore(%arg11 : memref<!tpu.dma_semaphore, #tpu.memory_space<semaphore_mem>>)
    %dma_wait3A_92 = arith.constant 1 : i32
    %dma_wait3A_93 = arith.constant 1 : i32
    %dma_wait3A_94 = arith.constant 0 : i32
    %dma_wait3A_95 = arith.constant 0 : i32
    %dma_wait3A_96 = tpu.memref_slice %arg6[%dma_wait3A_93, %dma_wait3A_94, %dma_wait3A_95] : memref<6x128x128xf32, #tpu.memory_space<vmem>> -> memref<1x128x128xf32, #tpu.memory_space<vmem>>
    %dma_wait3A_97 = tpu.memref_squeeze %dma_wait3A_96 : memref<1x128x128xf32, #tpu.memory_space<vmem>> -> memref<128x128xf32, #tpu.memory_space<vmem>>
    %dma_wait3A_98 = arith.constant 0 : i32
    %dma_wait3A_99 = tpu.memref_slice %arg5[%dma_wait3A_92, %dma_wait3A_98] : memref<200x128xi32, #tpu.memory_space<vmem>> -> memref<1x128xi32, #tpu.memory_space<vmem>>
    %dma_wait3A_100 = tpu.memref_squeeze %dma_wait3A_99 : memref<1x128xi32, #tpu.memory_space<vmem>> -> memref<128xi32, #tpu.memory_space<vmem>>
    %dma_wait3A_101 = arith.constant 0 : i32
    %dma_wait3A_102 = arith.constant 0 : i32
    %dma_wait3A_103 = tpu.memref_slice %arg3[%dma_wait3A_101, %dma_wait3A_102] : memref<100000x128xf32, #tpu.memory_space<hbm>> -> memref<100000x128xf32, #tpu.memory_space<hbm>>
    tpu.wait_indirect_dma semaphore(%arg8 : memref<!tpu.dma_semaphore, #tpu.memory_space<semaphore_mem>>) src(%dma_wait3A_103 : memref<100000x128xf32, #tpu.memory_space<hbm>>) dst(%dma_wait3A_97 : memref<128x128xf32, #tpu.memory_space<vmem>>)
    %add3A_104 = arith.constant 1 : i32
    %add3A_105 = arith.addi %mul3A_2, %add3A_104 : i32
    %dma_start3A_106 = arith.constant 1 : i32
    %dma_start3A_107 = arith.constant 0 : i32
    %dma_start3A_108 = arith.constant 0 : i32
    %dma_start3A_109 = tpu.memref_slice %arg6[%dma_start3A_106, %dma_start3A_107, %dma_start3A_108] : memref<6x128x128xf32, #tpu.memory_space<vmem>> -> memref<1x128x128xf32, #tpu.memory_space<vmem>>
    %dma_start3A_110 = tpu.memref_squeeze %dma_start3A_109 : memref<1x128x128xf32, #tpu.memory_space<vmem>> -> memref<128x128xf32, #tpu.memory_space<vmem>>
    %dma_start3A_111 = arith.constant 0 : i32
    %dma_start3A_112 = arith.constant 0 : i32
    %dma_start3A_113 = tpu.memref_slice %arg4[%add3A_105, %dma_start3A_111, %dma_start3A_112] : memref<6400x128x128xf32, #tpu.memory_space<hbm>> -> memref<1x128x128xf32, #tpu.memory_space<hbm>>
    %dma_start3A_114 = tpu.memref_squeeze %dma_start3A_113 : memref<1x128x128xf32, #tpu.memory_space<hbm>> -> memref<128x128xf32, #tpu.memory_space<hbm>>
    %dma_start3A_115 = arith.constant 0 : i32
    %dma_start3A_116 = arith.constant 0 : i32
    %dma_start3A_117 = tpu.memref_slice %arg4[%add3A_105, %dma_start3A_115, %dma_start3A_116] : memref<6400x128x128xf32, #tpu.memory_space<hbm>> -> memref<1x128x128xf32, #tpu.memory_space<hbm>>
    %dma_start3A_118 = tpu.memref_squeeze %dma_start3A_117 : memref<1x128x128xf32, #tpu.memory_space<hbm>> -> memref<128x128xf32, #tpu.memory_space<hbm>>
    %dma_start3A_119 = arith.constant 0 : i32
    %dma_start3A_120 = arith.constant 0 : i32
    %dma_start3A_121 = tpu.memref_slice %arg6[%dma_start3A_106, %dma_start3A_119, %dma_start3A_120] : memref<6x128x128xf32, #tpu.memory_space<vmem>> -> memref<1x128x128xf32, #tpu.memory_space<vmem>>
    %dma_start3A_122 = tpu.memref_squeeze %dma_start3A_121 : memref<1x128x128xf32, #tpu.memory_space<vmem>> -> memref<128x128xf32, #tpu.memory_space<vmem>>
    tpu.enqueue_dma source(%dma_start3A_122 : memref<128x128xf32, #tpu.memory_space<vmem>>) target(%dma_start3A_118 : memref<128x128xf32, #tpu.memory_space<hbm>>) target_semaphore(%arg14 : memref<!tpu.dma_semaphore, #tpu.memory_space<semaphore_mem>>)
    %dma_start3A_123 = arith.constant 5 : i32
    %dma_start3A_124 = arith.constant 5 : i32
    %dma_start3A_125 = arith.constant 0 : i32
    %dma_start3A_126 = arith.constant 0 : i32
    %dma_start3A_127 = tpu.memref_slice %arg6[%dma_start3A_124, %dma_start3A_125, %dma_start3A_126] : memref<6x128x128xf32, #tpu.memory_space<vmem>> -> memref<1x128x128xf32, #tpu.memory_space<vmem>>
    %dma_start3A_128 = tpu.memref_squeeze %dma_start3A_127 : memref<1x128x128xf32, #tpu.memory_space<vmem>> -> memref<128x128xf32, #tpu.memory_space<vmem>>
    %dma_start3A_129 = arith.constant 0 : i32
    %dma_start3A_130 = tpu.memref_slice %arg5[%dma_start3A_123, %dma_start3A_129] : memref<200x128xi32, #tpu.memory_space<vmem>> -> memref<1x128xi32, #tpu.memory_space<vmem>>
    %dma_start3A_131 = tpu.memref_squeeze %dma_start3A_130 : memref<1x128xi32, #tpu.memory_space<vmem>> -> memref<128xi32, #tpu.memory_space<vmem>>
    %dma_start3A_132 = arith.constant 0 : i32
    %dma_start3A_133 = arith.constant 0 : i32
    %dma_start3A_134 = tpu.memref_slice %arg3[%dma_start3A_132, %dma_start3A_133] : memref<100000x128xf32, #tpu.memory_space<hbm>> -> memref<100000x128xf32, #tpu.memory_space<hbm>>
    tpu.enqueue_indirect_dma source(%dma_start3A_134 : memref<100000x128xf32, #tpu.memory_space<hbm>>) target(%dma_start3A_128 : memref<128x128xf32, #tpu.memory_space<vmem>>) offsets(%dma_start3A_131 : memref<128xi32, #tpu.memory_space<vmem>>) semaphore(%arg12 : memref<!tpu.dma_semaphore, #tpu.memory_space<semaphore_mem>>)
    %dma_wait3A_135 = arith.constant 2 : i32
    %dma_wait3A_136 = arith.constant 2 : i32
    %dma_wait3A_137 = arith.constant 0 : i32
    %dma_wait3A_138 = arith.constant 0 : i32
    %dma_wait3A_139 = tpu.memref_slice %arg6[%dma_wait3A_136, %dma_wait3A_137, %dma_wait3A_138] : memref<6x128x128xf32, #tpu.memory_space<vmem>> -> memref<1x128x128xf32, #tpu.memory_space<vmem>>
    %dma_wait3A_140 = tpu.memref_squeeze %dma_wait3A_139 : memref<1x128x128xf32, #tpu.memory_space<vmem>> -> memref<128x128xf32, #tpu.memory_space<vmem>>
    %dma_wait3A_141 = arith.constant 0 : i32
    %dma_wait3A_142 = tpu.memref_slice %arg5[%dma_wait3A_135, %dma_wait3A_141] : memref<200x128xi32, #tpu.memory_space<vmem>> -> memref<1x128xi32, #tpu.memory_space<vmem>>
    %dma_wait3A_143 = tpu.memref_squeeze %dma_wait3A_142 : memref<1x128xi32, #tpu.memory_space<vmem>> -> memref<128xi32, #tpu.memory_space<vmem>>
    %dma_wait3A_144 = arith.constant 0 : i32
    %dma_wait3A_145 = arith.constant 0 : i32
    %dma_wait3A_146 = tpu.memref_slice %arg3[%dma_wait3A_144, %dma_wait3A_145] : memref<100000x128xf32, #tpu.memory_space<hbm>> -> memref<100000x128xf32, #tpu.memory_space<hbm>>
    tpu.wait_indirect_dma semaphore(%arg9 : memref<!tpu.dma_semaphore, #tpu.memory_space<semaphore_mem>>) src(%dma_wait3A_146 : memref<100000x128xf32, #tpu.memory_space<hbm>>) dst(%dma_wait3A_140 : memref<128x128xf32, #tpu.memory_space<vmem>>)
    %add3A_147 = arith.constant 2 : i32
    %add3A_148 = arith.addi %mul3A_2, %add3A_147 : i32
    %dma_start3A_149 = arith.constant 2 : i32
    %dma_start3A_150 = arith.constant 0 : i32
    %dma_start3A_151 = arith.constant 0 : i32
    %dma_start3A_152 = tpu.memref_slice %arg6[%dma_start3A_149, %dma_start3A_150, %dma_start3A_151] : memref<6x128x128xf32, #tpu.memory_space<vmem>> -> memref<1x128x128xf32, #tpu.memory_space<vmem>>
    %dma_start3A_153 = tpu.memref_squeeze %dma_start3A_152 : memref<1x128x128xf32, #tpu.memory_space<vmem>> -> memref<128x128xf32, #tpu.memory_space<vmem>>
    %dma_start3A_154 = arith.constant 0 : i32
    %dma_start3A_155 = arith.constant 0 : i32
    %dma_start3A_156 = tpu.memref_slice %arg4[%add3A_148, %dma_start3A_154, %dma_start3A_155] : memref<6400x128x128xf32, #tpu.memory_space<hbm>> -> memref<1x128x128xf32, #tpu.memory_space<hbm>>
    %dma_start3A_157 = tpu.memref_squeeze %dma_start3A_156 : memref<1x128x128xf32, #tpu.memory_space<hbm>> -> memref<128x128xf32, #tpu.memory_space<hbm>>
    %dma_start3A_158 = arith.constant 0 : i32
    %dma_start3A_159 = arith.constant 0 : i32
    %dma_start3A_160 = tpu.memref_slice %arg4[%add3A_148, %dma_start3A_158, %dma_start3A_159] : memref<6400x128x128xf32, #tpu.memory_space<hbm>> -> memref<1x128x128xf32, #tpu.memory_space<hbm>>
    %dma_start3A_161 = tpu.memref_squeeze %dma_start3A_160 : memref<1x128x128xf32, #tpu.memory_space<hbm>> -> memref<128x128xf32, #tpu.memory_space<hbm>>
    %dma_start3A_162 = arith.constant 0 : i32
    %dma_start3A_163 = arith.constant 0 : i32
    %dma_start3A_164 = tpu.memref_slice %arg6[%dma_start3A_149, %dma_start3A_162, %dma_start3A_163] : memref<6x128x128xf32, #tpu.memory_space<vmem>> -> memref<1x128x128xf32, #tpu.memory_space<vmem>>
    %dma_start3A_165 = tpu.memref_squeeze %dma_start3A_164 : memref<1x128x128xf32, #tpu.memory_space<vmem>> -> memref<128x128xf32, #tpu.memory_space<vmem>>
    tpu.enqueue_dma source(%dma_start3A_165 : memref<128x128xf32, #tpu.memory_space<vmem>>) target(%dma_start3A_161 : memref<128x128xf32, #tpu.memory_space<hbm>>) target_semaphore(%arg15 : memref<!tpu.dma_semaphore, #tpu.memory_space<semaphore_mem>>)
    %add3A_166 = arith.constant 0 : i32
    %add3A_167 = arith.addi %mul3A_2, %add3A_166 : i32
    %dma_wait3A_168 = arith.constant 0 : i32
    %dma_wait3A_169 = arith.constant 0 : i32
    %dma_wait3A_170 = arith.constant 0 : i32
    %dma_wait3A_171 = tpu.memref_slice %arg6[%dma_wait3A_168, %dma_wait3A_169, %dma_wait3A_170] : memref<6x128x128xf32, #tpu.memory_space<vmem>> -> memref<1x128x128xf32, #tpu.memory_space<vmem>>
    %dma_wait3A_172 = tpu.memref_squeeze %dma_wait3A_171 : memref<1x128x128xf32, #tpu.memory_space<vmem>> -> memref<128x128xf32, #tpu.memory_space<vmem>>
    %dma_wait3A_173 = arith.constant 0 : i32
    %dma_wait3A_174 = arith.constant 0 : i32
    %dma_wait3A_175 = tpu.memref_slice %arg4[%add3A_167, %dma_wait3A_173, %dma_wait3A_174] : memref<6400x128x128xf32, #tpu.memory_space<hbm>> -> memref<1x128x128xf32, #tpu.memory_space<hbm>>
    %dma_wait3A_176 = tpu.memref_squeeze %dma_wait3A_175 : memref<1x128x128xf32, #tpu.memory_space<hbm>> -> memref<128x128xf32, #tpu.memory_space<hbm>>
    %dma_wait3A_177 = arith.constant 0 : i32
    %dma_wait3A_178 = arith.constant 0 : i32
    %dma_wait3A_179 = tpu.memref_slice %arg4[%add3A_167, %dma_wait3A_177, %dma_wait3A_178] : memref<6400x128x128xf32, #tpu.memory_space<hbm>> -> memref<1x128x128xf32, #tpu.memory_space<hbm>>
    %dma_wait3A_180 = tpu.memref_squeeze %dma_wait3A_179 : memref<1x128x128xf32, #tpu.memory_space<hbm>> -> memref<128x128xf32, #tpu.memory_space<hbm>>
    %dma_wait3A_181 = arith.constant 0 : i32
    %dma_wait3A_182 = arith.constant 0 : i32
    %dma_wait3A_183 = tpu.memref_slice %arg6[%dma_wait3A_168, %dma_wait3A_181, %dma_wait3A_182] : memref<6x128x128xf32, #tpu.memory_space<vmem>> -> memref<1x128x128xf32, #tpu.memory_space<vmem>>
    %dma_wait3A_184 = tpu.memref_squeeze %dma_wait3A_183 : memref<1x128x128xf32, #tpu.memory_space<vmem>> -> memref<128x128xf32, #tpu.memory_space<vmem>>
    tpu.wait_dma2 semaphore(%arg13 : memref<!tpu.dma_semaphore, #tpu.memory_space<semaphore_mem>>) src(%dma_wait3A_184 : memref<128x128xf32, #tpu.memory_space<vmem>>) dst(%dma_wait3A_180 : memref<128x128xf32, #tpu.memory_space<hbm>>)
    %dma_start3A_185 = arith.constant 6 : i32
    %dma_start3A_186 = arith.constant 0 : i32
    %dma_start3A_187 = arith.constant 0 : i32
    %dma_start3A_188 = arith.constant 0 : i32
    %dma_start3A_189 = tpu.memref_slice %arg6[%dma_start3A_186, %dma_start3A_187, %dma_start3A_188] : memref<6x128x128xf32, #tpu.memory_space<vmem>> -> memref<1x128x128xf32, #tpu.memory_space<vmem>>
    %dma_start3A_190 = tpu.memref_squeeze %dma_start3A_189 : memref<1x128x128xf32, #tpu.memory_space<vmem>> -> memref<128x128xf32, #tpu.memory_space<vmem>>
    %dma_start3A_191 = arith.constant 0 : i32
    %dma_start3A_192 = tpu.memref_slice %arg5[%dma_start3A_185, %dma_start3A_191] : memref<200x128xi32, #tpu.memory_space<vmem>> -> memref<1x128xi32, #tpu.memory_space<vmem>>
    %dma_start3A_193 = tpu.memref_squeeze %dma_start3A_192 : memref<1x128xi32, #tpu.memory_space<vmem>> -> memref<128xi32, #tpu.memory_space<vmem>>
    %dma_start3A_194 = arith.constant 0 : i32
    %dma_start3A_195 = arith.constant 0 : i32
    %dma_start3A_196 = tpu.memref_slice %arg3[%dma_start3A_194, %dma_start3A_195] : memref<100000x128xf32, #tpu.memory_space<hbm>> -> memref<100000x128xf32, #tpu.memory_space<hbm>>
    tpu.enqueue_indirect_dma source(%dma_start3A_196 : memref<100000x128xf32, #tpu.memory_space<hbm>>) target(%dma_start3A_190 : memref<128x128xf32, #tpu.memory_space<vmem>>) offsets(%dma_start3A_193 : memref<128xi32, #tpu.memory_space<vmem>>) semaphore(%arg7 : memref<!tpu.dma_semaphore, #tpu.memory_space<semaphore_mem>>)
    %dma_wait3A_197 = arith.constant 3 : i32
    %dma_wait3A_198 = arith.constant 3 : i32
    %dma_wait3A_199 = arith.constant 0 : i32
    %dma_wait3A_200 = arith.constant 0 : i32
    %dma_wait3A_201 = tpu.memref_slice %arg6[%dma_wait3A_198, %dma_wait3A_199, %dma_wait3A_200] : memref<6x128x128xf32, #tpu.memory_space<vmem>> -> memref<1x128x128xf32, #tpu.memory_space<vmem>>
    %dma_wait3A_202 = tpu.memref_squeeze %dma_wait3A_201 : memref<1x128x128xf32, #tpu.memory_space<vmem>> -> memref<128x128xf32, #tpu.memory_space<vmem>>
    %dma_wait3A_203 = arith.constant 0 : i32
    %dma_wait3A_204 = tpu.memref_slice %arg5[%dma_wait3A_197, %dma_wait3A_203] : memref<200x128xi32, #tpu.memory_space<vmem>> -> memref<1x128xi32, #tpu.memory_space<vmem>>
    %dma_wait3A_205 = tpu.memref_squeeze %dma_wait3A_204 : memref<1x128xi32, #tpu.memory_space<vmem>> -> memref<128xi32, #tpu.memory_space<vmem>>
    %dma_wait3A_206 = arith.constant 0 : i32
    %dma_wait3A_207 = arith.constant 0 : i32
    %dma_wait3A_208 = tpu.memref_slice %arg3[%dma_wait3A_206, %dma_wait3A_207] : memref<100000x128xf32, #tpu.memory_space<hbm>> -> memref<100000x128xf32, #tpu.memory_space<hbm>>
    tpu.wait_indirect_dma semaphore(%arg10 : memref<!tpu.dma_semaphore, #tpu.memory_space<semaphore_mem>>) src(%dma_wait3A_208 : memref<100000x128xf32, #tpu.memory_space<hbm>>) dst(%dma_wait3A_202 : memref<128x128xf32, #tpu.memory_space<vmem>>)
    %add3A_209 = arith.constant 3 : i32
    %add3A_210 = arith.addi %mul3A_2, %add3A_209 : i32
    %dma_start3A_211 = arith.constant 3 : i32
    %dma_start3A_212 = arith.constant 0 : i32
    %dma_start3A_213 = arith.constant 0 : i32
    %dma_start3A_214 = tpu.memref_slice %arg6[%dma_start3A_211, %dma_start3A_212, %dma_start3A_213] : memref<6x128x128xf32, #tpu.memory_space<vmem>> -> memref<1x128x128xf32, #tpu.memory_space<vmem>>
    %dma_start3A_215 = tpu.memref_squeeze %dma_start3A_214 : memref<1x128x128xf32, #tpu.memory_space<vmem>> -> memref<128x128xf32, #tpu.memory_space<vmem>>
    %dma_start3A_216 = arith.constant 0 : i32
    %dma_start3A_217 = arith.constant 0 : i32
    %dma_start3A_218 = tpu.memref_slice %arg4[%add3A_210, %dma_start3A_216, %dma_start3A_217] : memref<6400x128x128xf32, #tpu.memory_space<hbm>> -> memref<1x128x128xf32, #tpu.memory_space<hbm>>
    %dma_start3A_219 = tpu.memref_squeeze %dma_start3A_218 : memref<1x128x128xf32, #tpu.memory_space<hbm>> -> memref<128x128xf32, #tpu.memory_space<hbm>>
    %dma_start3A_220 = arith.constant 0 : i32
    %dma_start3A_221 = arith.constant 0 : i32
    %dma_start3A_222 = tpu.memref_slice %arg4[%add3A_210, %dma_start3A_220, %dma_start3A_221] : memref<6400x128x128xf32, #tpu.memory_space<hbm>> -> memref<1x128x128xf32, #tpu.memory_space<hbm>>
    %dma_start3A_223 = tpu.memref_squeeze %dma_start3A_222 : memref<1x128x128xf32, #tpu.memory_space<hbm>> -> memref<128x128xf32, #tpu.memory_space<hbm>>
    %dma_start3A_224 = arith.constant 0 : i32
    %dma_start3A_225 = arith.constant 0 : i32
    %dma_start3A_226 = tpu.memref_slice %arg6[%dma_start3A_211, %dma_start3A_224, %dma_start3A_225] : memref<6x128x128xf32, #tpu.memory_space<vmem>> -> memref<1x128x128xf32, #tpu.memory_space<vmem>>
    %dma_start3A_227 = tpu.memref_squeeze %dma_start3A_226 : memref<1x128x128xf32, #tpu.memory_space<vmem>> -> memref<128x128xf32, #tpu.memory_space<vmem>>
    tpu.enqueue_dma source(%dma_start3A_227 : memref<128x128xf32, #tpu.memory_space<vmem>>) target(%dma_start3A_223 : memref<128x128xf32, #tpu.memory_space<hbm>>) target_semaphore(%arg16 : memref<!tpu.dma_semaphore, #tpu.memory_space<semaphore_mem>>)
    %add3A_228 = arith.constant 1 : i32
    %add3A_229 = arith.addi %mul3A_2, %add3A_228 : i32
    %dma_wait3A_230 = arith.constant 1 : i32
    %dma_wait3A_231 = arith.constant 0 : i32
    %dma_wait3A_232 = arith.constant 0 : i32
    %dma_wait3A_233 = tpu.memref_slice %arg6[%dma_wait3A_230, %dma_wait3A_231, %dma_wait3A_232] : memref<6x128x128xf32, #tpu.memory_space<vmem>> -> memref<1x128x128xf32, #tpu.memory_space<vmem>>
    %dma_wait3A_234 = tpu.memref_squeeze %dma_wait3A_233 : memref<1x128x128xf32, #tpu.memory_space<vmem>> -> memref<128x128xf32, #tpu.memory_space<vmem>>
    %dma_wait3A_235 = arith.constant 0 : i32
    %dma_wait3A_236 = arith.constant 0 : i32
    %dma_wait3A_237 = tpu.memref_slice %arg4[%add3A_229, %dma_wait3A_235, %dma_wait3A_236] : memref<6400x128x128xf32, #tpu.memory_space<hbm>> -> memref<1x128x128xf32, #tpu.memory_space<hbm>>
    %dma_wait3A_238 = tpu.memref_squeeze %dma_wait3A_237 : memref<1x128x128xf32, #tpu.memory_space<hbm>> -> memref<128x128xf32, #tpu.memory_space<hbm>>
    %dma_wait3A_239 = arith.constant 0 : i32
    %dma_wait3A_240 = arith.constant 0 : i32
    %dma_wait3A_241 = tpu.memref_slice %arg4[%add3A_229, %dma_wait3A_239, %dma_wait3A_240] : memref<6400x128x128xf32, #tpu.memory_space<hbm>> -> memref<1x128x128xf32, #tpu.memory_space<hbm>>
    %dma_wait3A_242 = tpu.memref_squeeze %dma_wait3A_241 : memref<1x128x128xf32, #tpu.memory_space<hbm>> -> memref<128x128xf32, #tpu.memory_space<hbm>>
    %dma_wait3A_243 = arith.constant 0 : i32
    %dma_wait3A_244 = arith.constant 0 : i32
    %dma_wait3A_245 = tpu.memref_slice %arg6[%dma_wait3A_230, %dma_wait3A_243, %dma_wait3A_244] : memref<6x128x128xf32, #tpu.memory_space<vmem>> -> memref<1x128x128xf32, #tpu.memory_space<vmem>>
    %dma_wait3A_246 = tpu.memref_squeeze %dma_wait3A_245 : memref<1x128x128xf32, #tpu.memory_space<vmem>> -> memref<128x128xf32, #tpu.memory_space<vmem>>
    tpu.wait_dma2 semaphore(%arg14 : memref<!tpu.dma_semaphore, #tpu.memory_space<semaphore_mem>>) src(%dma_wait3A_246 : memref<128x128xf32, #tpu.memory_space<vmem>>) dst(%dma_wait3A_242 : memref<128x128xf32, #tpu.memory_space<hbm>>)
    %dma_start3A_247 = arith.constant 7 : i32
    %dma_start3A_248 = arith.constant 1 : i32
    %dma_start3A_249 = arith.constant 0 : i32
    %dma_start3A_250 = arith.constant 0 : i32
    %dma_start3A_251 = tpu.memref_slice %arg6[%dma_start3A_248, %dma_start3A_249, %dma_start3A_250] : memref<6x128x128xf32, #tpu.memory_space<vmem>> -> memref<1x128x128xf32, #tpu.memory_space<vmem>>
    %dma_start3A_252 = tpu.memref_squeeze %dma_start3A_251 : memref<1x128x128xf32, #tpu.memory_space<vmem>> -> memref<128x128xf32, #tpu.memory_space<vmem>>
    %dma_start3A_253 = arith.constant 0 : i32
    %dma_start3A_254 = tpu.memref_slice %arg5[%dma_start3A_247, %dma_start3A_253] : memref<200x128xi32, #tpu.memory_space<vmem>> -> memref<1x128xi32, #tpu.memory_space<vmem>>
    %dma_start3A_255 = tpu.memref_squeeze %dma_start3A_254 : memref<1x128xi32, #tpu.memory_space<vmem>> -> memref<128xi32, #tpu.memory_space<vmem>>
    %dma_start3A_256 = arith.constant 0 : i32
    %dma_start3A_257 = arith.constant 0 : i32
    %dma_start3A_258 = tpu.memref_slice %arg3[%dma_start3A_256, %dma_start3A_257] : memref<100000x128xf32, #tpu.memory_space<hbm>> -> memref<100000x128xf32, #tpu.memory_space<hbm>>
    tpu.enqueue_indirect_dma source(%dma_start3A_258 : memref<100000x128xf32, #tpu.memory_space<hbm>>) target(%dma_start3A_252 : memref<128x128xf32, #tpu.memory_space<vmem>>) offsets(%dma_start3A_255 : memref<128xi32, #tpu.memory_space<vmem>>) semaphore(%arg8 : memref<!tpu.dma_semaphore, #tpu.memory_space<semaphore_mem>>)
    %dma_wait3A_259 = arith.constant 4 : i32
    %dma_wait3A_260 = arith.constant 4 : i32
    %dma_wait3A_261 = arith.constant 0 : i32
    %dma_wait3A_262 = arith.constant 0 : i32
    %dma_wait3A_263 = tpu.memref_slice %arg6[%dma_wait3A_260, %dma_wait3A_261, %dma_wait3A_262] : memref<6x128x128xf32, #tpu.memory_space<vmem>> -> memref<1x128x128xf32, #tpu.memory_space<vmem>>
    %dma_wait3A_264 = tpu.memref_squeeze %dma_wait3A_263 : memref<1x128x128xf32, #tpu.memory_space<vmem>> -> memref<128x128xf32, #tpu.memory_space<vmem>>
    %dma_wait3A_265 = arith.constant 0 : i32
    %dma_wait3A_266 = tpu.memref_slice %arg5[%dma_wait3A_259, %dma_wait3A_265] : memref<200x128xi32, #tpu.memory_space<vmem>> -> memref<1x128xi32, #tpu.memory_space<vmem>>
    %dma_wait3A_267 = tpu.memref_squeeze %dma_wait3A_266 : memref<1x128xi32, #tpu.memory_space<vmem>> -> memref<128xi32, #tpu.memory_space<vmem>>
    %dma_wait3A_268 = arith.constant 0 : i32
    %dma_wait3A_269 = arith.constant 0 : i32
    %dma_wait3A_270 = tpu.memref_slice %arg3[%dma_wait3A_268, %dma_wait3A_269] : memref<100000x128xf32, #tpu.memory_space<hbm>> -> memref<100000x128xf32, #tpu.memory_space<hbm>>
    tpu.wait_indirect_dma semaphore(%arg11 : memref<!tpu.dma_semaphore, #tpu.memory_space<semaphore_mem>>) src(%dma_wait3A_270 : memref<100000x128xf32, #tpu.memory_space<hbm>>) dst(%dma_wait3A_264 : memref<128x128xf32, #tpu.memory_space<vmem>>)
    %add3A_271 = arith.constant 4 : i32
    %add3A_272 = arith.addi %mul3A_2, %add3A_271 : i32
    %dma_start3A_273 = arith.constant 4 : i32
    %dma_start3A_274 = arith.constant 0 : i32
    %dma_start3A_275 = arith.constant 0 : i32
    %dma_start3A_276 = tpu.memref_slice %arg6[%dma_start3A_273, %dma_start3A_274, %dma_start3A_275] : memref<6x128x128xf32, #tpu.memory_space<vmem>> -> memref<1x128x128xf32, #tpu.memory_space<vmem>>
    %dma_start3A_277 = tpu.memref_squeeze %dma_start3A_276 : memref<1x128x128xf32, #tpu.memory_space<vmem>> -> memref<128x128xf32, #tpu.memory_space<vmem>>
    %dma_start3A_278 = arith.constant 0 : i32
    %dma_start3A_279 = arith.constant 0 : i32
    %dma_start3A_280 = tpu.memref_slice %arg4[%add3A_272, %dma_start3A_278, %dma_start3A_279] : memref<6400x128x128xf32, #tpu.memory_space<hbm>> -> memref<1x128x128xf32, #tpu.memory_space<hbm>>
    %dma_start3A_281 = tpu.memref_squeeze %dma_start3A_280 : memref<1x128x128xf32, #tpu.memory_space<hbm>> -> memref<128x128xf32, #tpu.memory_space<hbm>>
    %dma_start3A_282 = arith.constant 0 : i32
    %dma_start3A_283 = arith.constant 0 : i32
    %dma_start3A_284 = tpu.memref_slice %arg4[%add3A_272, %dma_start3A_282, %dma_start3A_283] : memref<6400x128x128xf32, #tpu.memory_space<hbm>> -> memref<1x128x128xf32, #tpu.memory_space<hbm>>
    %dma_start3A_285 = tpu.memref_squeeze %dma_start3A_284 : memref<1x128x128xf32, #tpu.memory_space<hbm>> -> memref<128x128xf32, #tpu.memory_space<hbm>>
    %dma_start3A_286 = arith.constant 0 : i32
    %dma_start3A_287 = arith.constant 0 : i32
    %dma_start3A_288 = tpu.memref_slice %arg6[%dma_start3A_273, %dma_start3A_286, %dma_start3A_287] : memref<6x128x128xf32, #tpu.memory_space<vmem>> -> memref<1x128x128xf32, #tpu.memory_space<vmem>>
    %dma_start3A_289 = tpu.memref_squeeze %dma_start3A_288 : memref<1x128x128xf32, #tpu.memory_space<vmem>> -> memref<128x128xf32, #tpu.memory_space<vmem>>
    tpu.enqueue_dma source(%dma_start3A_289 : memref<128x128xf32, #tpu.memory_space<vmem>>) target(%dma_start3A_285 : memref<128x128xf32, #tpu.memory_space<hbm>>) target_semaphore(%arg17 : memref<!tpu.dma_semaphore, #tpu.memory_space<semaphore_mem>>)
    %add3A_290 = arith.constant 2 : i32
    %add3A_291 = arith.addi %mul3A_2, %add3A_290 : i32
    %dma_wait3A_292 = arith.constant 2 : i32
    %dma_wait3A_293 = arith.constant 0 : i32
    %dma_wait3A_294 = arith.constant 0 : i32
    %dma_wait3A_295 = tpu.memref_slice %arg6[%dma_wait3A_292, %dma_wait3A_293, %dma_wait3A_294] : memref<6x128x128xf32, #tpu.memory_space<vmem>> -> memref<1x128x128xf32, #tpu.memory_space<vmem>>
    %dma_wait3A_296 = tpu.memref_squeeze %dma_wait3A_295 : memref<1x128x128xf32, #tpu.memory_space<vmem>> -> memref<128x128xf32, #tpu.memory_space<vmem>>
    %dma_wait3A_297 = arith.constant 0 : i32
    %dma_wait3A_298 = arith.constant 0 : i32
    %dma_wait3A_299 = tpu.memref_slice %arg4[%add3A_291, %dma_wait3A_297, %dma_wait3A_298] : memref<6400x128x128xf32, #tpu.memory_space<hbm>> -> memref<1x128x128xf32, #tpu.memory_space<hbm>>
    %dma_wait3A_300 = tpu.memref_squeeze %dma_wait3A_299 : memref<1x128x128xf32, #tpu.memory_space<hbm>> -> memref<128x128xf32, #tpu.memory_space<hbm>>
    %dma_wait3A_301 = arith.constant 0 : i32
    %dma_wait3A_302 = arith.constant 0 : i32
    %dma_wait3A_303 = tpu.memref_slice %arg4[%add3A_291, %dma_wait3A_301, %dma_wait3A_302] : memref<6400x128x128xf32, #tpu.memory_space<hbm>> -> memref<1x128x128xf32, #tpu.memory_space<hbm>>
    %dma_wait3A_304 = tpu.memref_squeeze %dma_wait3A_303 : memref<1x128x128xf32, #tpu.memory_space<hbm>> -> memref<128x128xf32, #tpu.memory_space<hbm>>
    %dma_wait3A_305 = arith.constant 0 : i32
    %dma_wait3A_306 = arith.constant 0 : i32
    %dma_wait3A_307 = tpu.memref_slice %arg6[%dma_wait3A_292, %dma_wait3A_305, %dma_wait3A_306] : memref<6x128x128xf32, #tpu.memory_space<vmem>> -> memref<1x128x128xf32, #tpu.memory_space<vmem>>
    %dma_wait3A_308 = tpu.memref_squeeze %dma_wait3A_307 : memref<1x128x128xf32, #tpu.memory_space<vmem>> -> memref<128x128xf32, #tpu.memory_space<vmem>>
    tpu.wait_dma2 semaphore(%arg15 : memref<!tpu.dma_semaphore, #tpu.memory_space<semaphore_mem>>) src(%dma_wait3A_308 : memref<128x128xf32, #tpu.memory_space<vmem>>) dst(%dma_wait3A_304 : memref<128x128xf32, #tpu.memory_space<hbm>>)
    %dma_start3A_309 = arith.constant 8 : i32
    %dma_start3A_310 = arith.constant 2 : i32
    %dma_start3A_311 = arith.constant 0 : i32
    %dma_start3A_312 = arith.constant 0 : i32
    %dma_start3A_313 = tpu.memref_slice %arg6[%dma_start3A_310, %dma_start3A_311, %dma_start3A_312] : memref<6x128x128xf32, #tpu.memory_space<vmem>> -> memref<1x128x128xf32, #tpu.memory_space<vmem>>
    %dma_start3A_314 = tpu.memref_squeeze %dma_start3A_313 : memref<1x128x128xf32, #tpu.memory_space<vmem>> -> memref<128x128xf32, #tpu.memory_space<vmem>>
    %dma_start3A_315 = arith.constant 0 : i32
    %dma_start3A_316 = tpu.memref_slice %arg5[%dma_start3A_309, %dma_start3A_315] : memref<200x128xi32, #tpu.memory_space<vmem>> -> memref<1x128xi32, #tpu.memory_space<vmem>>
    %dma_start3A_317 = tpu.memref_squeeze %dma_start3A_316 : memref<1x128xi32, #tpu.memory_space<vmem>> -> memref<128xi32, #tpu.memory_space<vmem>>
    %dma_start3A_318 = arith.constant 0 : i32
    %dma_start3A_319 = arith.constant 0 : i32
    %dma_start3A_320 = tpu.memref_slice %arg3[%dma_start3A_318, %dma_start3A_319] : memref<100000x128xf32, #tpu.memory_space<hbm>> -> memref<100000x128xf32, #tpu.memory_space<hbm>>
    tpu.enqueue_indirect_dma source(%dma_start3A_320 : memref<100000x128xf32, #tpu.memory_space<hbm>>) target(%dma_start3A_314 : memref<128x128xf32, #tpu.memory_space<vmem>>) offsets(%dma_start3A_317 : memref<128xi32, #tpu.memory_space<vmem>>) semaphore(%arg9 : memref<!tpu.dma_semaphore, #tpu.memory_space<semaphore_mem>>)
    %dma_wait3A_321 = arith.constant 5 : i32
    %dma_wait3A_322 = arith.constant 5 : i32
    %dma_wait3A_323 = arith.constant 0 : i32
    %dma_wait3A_324 = arith.constant 0 : i32
    %dma_wait3A_325 = tpu.memref_slice %arg6[%dma_wait3A_322, %dma_wait3A_323, %dma_wait3A_324] : memref<6x128x128xf32, #tpu.memory_space<vmem>> -> memref<1x128x128xf32, #tpu.memory_space<vmem>>
    %dma_wait3A_326 = tpu.memref_squeeze %dma_wait3A_325 : memref<1x128x128xf32, #tpu.memory_space<vmem>> -> memref<128x128xf32, #tpu.memory_space<vmem>>
    %dma_wait3A_327 = arith.constant 0 : i32
    %dma_wait3A_328 = tpu.memref_slice %arg5[%dma_wait3A_321, %dma_wait3A_327] : memref<200x128xi32, #tpu.memory_space<vmem>> -> memref<1x128xi32, #tpu.memory_space<vmem>>
    %dma_wait3A_329 = tpu.memref_squeeze %dma_wait3A_328 : memref<1x128xi32, #tpu.memory_space<vmem>> -> memref<128xi32, #tpu.memory_space<vmem>>
    %dma_wait3A_330 = arith.constant 0 : i32
    %dma_wait3A_331 = arith.constant 0 : i32
    %dma_wait3A_332 = tpu.memref_slice %arg3[%dma_wait3A_330, %dma_wait3A_331] : memref<100000x128xf32, #tpu.memory_space<hbm>> -> memref<100000x128xf32, #tpu.memory_space<hbm>>
    tpu.wait_indirect_dma semaphore(%arg12 : memref<!tpu.dma_semaphore, #tpu.memory_space<semaphore_mem>>) src(%dma_wait3A_332 : memref<100000x128xf32, #tpu.memory_space<hbm>>) dst(%dma_wait3A_326 : memref<128x128xf32, #tpu.memory_space<vmem>>)
    %add3A_333 = arith.constant 5 : i32
    %add3A_334 = arith.addi %mul3A_2, %add3A_333 : i32
    %dma_start3A_335 = arith.constant 5 : i32
    %dma_start3A_336 = arith.constant 0 : i32
    %dma_start3A_337 = arith.constant 0 : i32
    %dma_start3A_338 = tpu.memref_slice %arg6[%dma_start3A_335, %dma_start3A_336, %dma_start3A_337] : memref<6x128x128xf32, #tpu.memory_space<vmem>> -> memref<1x128x128xf32, #tpu.memory_space<vmem>>
    %dma_start3A_339 = tpu.memref_squeeze %dma_start3A_338 : memref<1x128x128xf32, #tpu.memory_space<vmem>> -> memref<128x128xf32, #tpu.memory_space<vmem>>
    %dma_start3A_340 = arith.constant 0 : i32
    %dma_start3A_341 = arith.constant 0 : i32
    %dma_start3A_342 = tpu.memref_slice %arg4[%add3A_334, %dma_start3A_340, %dma_start3A_341] : memref<6400x128x128xf32, #tpu.memory_space<hbm>> -> memref<1x128x128xf32, #tpu.memory_space<hbm>>
    %dma_start3A_343 = tpu.memref_squeeze %dma_start3A_342 : memref<1x128x128xf32, #tpu.memory_space<hbm>> -> memref<128x128xf32, #tpu.memory_space<hbm>>
    %dma_start3A_344 = arith.constant 0 : i32
    %dma_start3A_345 = arith.constant 0 : i32
    %dma_start3A_346 = tpu.memref_slice %arg4[%add3A_334, %dma_start3A_344, %dma_start3A_345] : memref<6400x128x128xf32, #tpu.memory_space<hbm>> -> memref<1x128x128xf32, #tpu.memory_space<hbm>>
    %dma_start3A_347 = tpu.memref_squeeze %dma_start3A_346 : memref<1x128x128xf32, #tpu.memory_space<hbm>> -> memref<128x128xf32, #tpu.memory_space<hbm>>
    %dma_start3A_348 = arith.constant 0 : i32
    %dma_start3A_349 = arith.constant 0 : i32
    %dma_start3A_350 = tpu.memref_slice %arg6[%dma_start3A_335, %dma_start3A_348, %dma_start3A_349] : memref<6x128x128xf32, #tpu.memory_space<vmem>> -> memref<1x128x128xf32, #tpu.memory_space<vmem>>
    %dma_start3A_351 = tpu.memref_squeeze %dma_start3A_350 : memref<1x128x128xf32, #tpu.memory_space<vmem>> -> memref<128x128xf32, #tpu.memory_space<vmem>>
    tpu.enqueue_dma source(%dma_start3A_351 : memref<128x128xf32, #tpu.memory_space<vmem>>) target(%dma_start3A_347 : memref<128x128xf32, #tpu.memory_space<hbm>>) target_semaphore(%arg18 : memref<!tpu.dma_semaphore, #tpu.memory_space<semaphore_mem>>)
    %add3A_352 = arith.constant 3 : i32
    %add3A_353 = arith.addi %mul3A_2, %add3A_352 : i32
    %dma_wait3A_354 = arith.constant 3 : i32
    %dma_wait3A_355 = arith.constant 0 : i32
    %dma_wait3A_356 = arith.constant 0 : i32
    %dma_wait3A_357 = tpu.memref_slice %arg6[%dma_wait3A_354, %dma_wait3A_355, %dma_wait3A_356] : memref<6x128x128xf32, #tpu.memory_space<vmem>> -> memref<1x128x128xf32, #tpu.memory_space<vmem>>
    %dma_wait3A_358 = tpu.memref_squeeze %dma_wait3A_357 : memref<1x128x128xf32, #tpu.memory_space<vmem>> -> memref<128x128xf32, #tpu.memory_space<vmem>>
    %dma_wait3A_359 = arith.constant 0 : i32
    %dma_wait3A_360 = arith.constant 0 : i32
    %dma_wait3A_361 = tpu.memref_slice %arg4[%add3A_353, %dma_wait3A_359, %dma_wait3A_360] : memref<6400x128x128xf32, #tpu.memory_space<hbm>> -> memref<1x128x128xf32, #tpu.memory_space<hbm>>
    %dma_wait3A_362 = tpu.memref_squeeze %dma_wait3A_361 : memref<1x128x128xf32, #tpu.memory_space<hbm>> -> memref<128x128xf32, #tpu.memory_space<hbm>>
    %dma_wait3A_363 = arith.constant 0 : i32
    %dma_wait3A_364 = arith.constant 0 : i32
    %dma_wait3A_365 = tpu.memref_slice %arg4[%add3A_353, %dma_wait3A_363, %dma_wait3A_364] : memref<6400x128x128xf32, #tpu.memory_space<hbm>> -> memref<1x128x128xf32, #tpu.memory_space<hbm>>
    %dma_wait3A_366 = tpu.memref_squeeze %dma_wait3A_365 : memref<1x128x128xf32, #tpu.memory_space<hbm>> -> memref<128x128xf32, #tpu.memory_space<hbm>>
    %dma_wait3A_367 = arith.constant 0 : i32
    %dma_wait3A_368 = arith.constant 0 : i32
    %dma_wait3A_369 = tpu.memref_slice %arg6[%dma_wait3A_354, %dma_wait3A_367, %dma_wait3A_368] : memref<6x128x128xf32, #tpu.memory_space<vmem>> -> memref<1x128x128xf32, #tpu.memory_space<vmem>>
    %dma_wait3A_370 = tpu.memref_squeeze %dma_wait3A_369 : memref<1x128x128xf32, #tpu.memory_space<vmem>> -> memref<128x128xf32, #tpu.memory_space<vmem>>
    tpu.wait_dma2 semaphore(%arg16 : memref<!tpu.dma_semaphore, #tpu.memory_space<semaphore_mem>>) src(%dma_wait3A_370 : memref<128x128xf32, #tpu.memory_space<vmem>>) dst(%dma_wait3A_366 : memref<128x128xf32, #tpu.memory_space<hbm>>)
    %dma_start3A_371 = arith.constant 9 : i32
    %dma_start3A_372 = arith.constant 3 : i32
    %dma_start3A_373 = arith.constant 0 : i32
    %dma_start3A_374 = arith.constant 0 : i32
    %dma_start3A_375 = tpu.memref_slice %arg6[%dma_start3A_372, %dma_start3A_373, %dma_start3A_374] : memref<6x128x128xf32, #tpu.memory_space<vmem>> -> memref<1x128x128xf32, #tpu.memory_space<vmem>>
    %dma_start3A_376 = tpu.memref_squeeze %dma_start3A_375 : memref<1x128x128xf32, #tpu.memory_space<vmem>> -> memref<128x128xf32, #tpu.memory_space<vmem>>
    %dma_start3A_377 = arith.constant 0 : i32
    %dma_start3A_378 = tpu.memref_slice %arg5[%dma_start3A_371, %dma_start3A_377] : memref<200x128xi32, #tpu.memory_space<vmem>> -> memref<1x128xi32, #tpu.memory_space<vmem>>
    %dma_start3A_379 = tpu.memref_squeeze %dma_start3A_378 : memref<1x128xi32, #tpu.memory_space<vmem>> -> memref<128xi32, #tpu.memory_space<vmem>>
    %dma_start3A_380 = arith.constant 0 : i32
    %dma_start3A_381 = arith.constant 0 : i32
    %dma_start3A_382 = tpu.memref_slice %arg3[%dma_start3A_380, %dma_start3A_381] : memref<100000x128xf32, #tpu.memory_space<hbm>> -> memref<100000x128xf32, #tpu.memory_space<hbm>>
    tpu.enqueue_indirect_dma source(%dma_start3A_382 : memref<100000x128xf32, #tpu.memory_space<hbm>>) target(%dma_start3A_376 : memref<128x128xf32, #tpu.memory_space<vmem>>) offsets(%dma_start3A_379 : memref<128xi32, #tpu.memory_space<vmem>>) semaphore(%arg10 : memref<!tpu.dma_semaphore, #tpu.memory_space<semaphore_mem>>)
    %scan3A = arith.constant 0 : i32
    %scan3A_383 = arith.constant 0 : i32
    %scan3A_384 = arith.constant 31 : i32
    %scan3A_385 = arith.addi %scan3A_383, %scan3A_384 : i32
    %scan3A_386 = arith.constant 1 : i32
    scf.for %scan3A_874 = %scan3A_383 to %scan3A_385 step %scan3A_386  : i32 {
      %mul3A_875 = arith.constant 6 : i32
      %mul3A_876 = arith.muli %mul3A_875, %scan3A_874 : i32
      %add3A_877 = arith.constant 6 : i32
      %add3A_878 = arith.addi %add3A_877, %mul3A_876 : i32
      %add3A_879 = arith.constant 0 : i32
      %add3A_880 = arith.addi %add3A_878, %add3A_879 : i32
      %dma_wait3A_881 = arith.constant 0 : i32
      %dma_wait3A_882 = arith.constant 0 : i32
      %dma_wait3A_883 = arith.constant 0 : i32
      %dma_wait3A_884 = tpu.memref_slice %arg6[%dma_wait3A_881, %dma_wait3A_882, %dma_wait3A_883] : memref<6x128x128xf32, #tpu.memory_space<vmem>> -> memref<1x128x128xf32, #tpu.memory_space<vmem>>
      %dma_wait3A_885 = tpu.memref_squeeze %dma_wait3A_884 : memref<1x128x128xf32, #tpu.memory_space<vmem>> -> memref<128x128xf32, #tpu.memory_space<vmem>>
      %dma_wait3A_886 = arith.constant 0 : i32
      %dma_wait3A_887 = tpu.memref_slice %arg5[%add3A_880, %dma_wait3A_886] : memref<200x128xi32, #tpu.memory_space<vmem>> -> memref<1x128xi32, #tpu.memory_space<vmem>>
      %dma_wait3A_888 = tpu.memref_squeeze %dma_wait3A_887 : memref<1x128xi32, #tpu.memory_space<vmem>> -> memref<128xi32, #tpu.memory_space<vmem>>
      %dma_wait3A_889 = arith.constant 0 : i32
      %dma_wait3A_890 = arith.constant 0 : i32
      %dma_wait3A_891 = tpu.memref_slice %arg3[%dma_wait3A_889, %dma_wait3A_890] : memref<100000x128xf32, #tpu.memory_space<hbm>> -> memref<100000x128xf32, #tpu.memory_space<hbm>>
      tpu.wait_indirect_dma semaphore(%arg7 : memref<!tpu.dma_semaphore, #tpu.memory_space<semaphore_mem>>) src(%dma_wait3A_891 : memref<100000x128xf32, #tpu.memory_space<hbm>>) dst(%dma_wait3A_885 : memref<128x128xf32, #tpu.memory_space<vmem>>)
      %add3A_892 = arith.addi %mul3A_2, %add3A_880 : i32
      %dma_start3A_893 = arith.constant 0 : i32
      %dma_start3A_894 = arith.constant 0 : i32
      %dma_start3A_895 = arith.constant 0 : i32
      %dma_start3A_896 = tpu.memref_slice %arg6[%dma_start3A_893, %dma_start3A_894, %dma_start3A_895] : memref<6x128x128xf32, #tpu.memory_space<vmem>> -> memref<1x128x128xf32, #tpu.memory_space<vmem>>
      %dma_start3A_897 = tpu.memref_squeeze %dma_start3A_896 : memref<1x128x128xf32, #tpu.memory_space<vmem>> -> memref<128x128xf32, #tpu.memory_space<vmem>>
      %dma_start3A_898 = arith.constant 0 : i32
      %dma_start3A_899 = arith.constant 0 : i32
      %dma_start3A_900 = tpu.memref_slice %arg4[%add3A_892, %dma_start3A_898, %dma_start3A_899] : memref<6400x128x128xf32, #tpu.memory_space<hbm>> -> memref<1x128x128xf32, #tpu.memory_space<hbm>>
      %dma_start3A_901 = tpu.memref_squeeze %dma_start3A_900 : memref<1x128x128xf32, #tpu.memory_space<hbm>> -> memref<128x128xf32, #tpu.memory_space<hbm>>
      %dma_start3A_902 = arith.constant 0 : i32
      %dma_start3A_903 = arith.constant 0 : i32
      %dma_start3A_904 = tpu.memref_slice %arg4[%add3A_892, %dma_start3A_902, %dma_start3A_903] : memref<6400x128x128xf32, #tpu.memory_space<hbm>> -> memref<1x128x128xf32, #tpu.memory_space<hbm>>
      %dma_start3A_905 = tpu.memref_squeeze %dma_start3A_904 : memref<1x128x128xf32, #tpu.memory_space<hbm>> -> memref<128x128xf32, #tpu.memory_space<hbm>>
      %dma_start3A_906 = arith.constant 0 : i32
      %dma_start3A_907 = arith.constant 0 : i32
      %dma_start3A_908 = tpu.memref_slice %arg6[%dma_start3A_893, %dma_start3A_906, %dma_start3A_907] : memref<6x128x128xf32, #tpu.memory_space<vmem>> -> memref<1x128x128xf32, #tpu.memory_space<vmem>>
      %dma_start3A_909 = tpu.memref_squeeze %dma_start3A_908 : memref<1x128x128xf32, #tpu.memory_space<vmem>> -> memref<128x128xf32, #tpu.memory_space<vmem>>
      tpu.enqueue_dma source(%dma_start3A_909 : memref<128x128xf32, #tpu.memory_space<vmem>>) target(%dma_start3A_905 : memref<128x128xf32, #tpu.memory_space<hbm>>) target_semaphore(%arg13 : memref<!tpu.dma_semaphore, #tpu.memory_space<semaphore_mem>>)
      %sub3A = arith.constant 2 : i32
      %sub3A_910 = arith.subi %add3A_880, %sub3A : i32
      %add3A_911 = arith.addi %mul3A_2, %sub3A_910 : i32
      %dma_wait3A_912 = arith.constant 4 : i32
      %dma_wait3A_913 = arith.constant 0 : i32
      %dma_wait3A_914 = arith.constant 0 : i32
      %dma_wait3A_915 = tpu.memref_slice %arg6[%dma_wait3A_912, %dma_wait3A_913, %dma_wait3A_914] : memref<6x128x128xf32, #tpu.memory_space<vmem>> -> memref<1x128x128xf32, #tpu.memory_space<vmem>>
      %dma_wait3A_916 = tpu.memref_squeeze %dma_wait3A_915 : memref<1x128x128xf32, #tpu.memory_space<vmem>> -> memref<128x128xf32, #tpu.memory_space<vmem>>
      %dma_wait3A_917 = arith.constant 0 : i32
      %dma_wait3A_918 = arith.constant 0 : i32
      %dma_wait3A_919 = tpu.memref_slice %arg4[%add3A_911, %dma_wait3A_917, %dma_wait3A_918] : memref<6400x128x128xf32, #tpu.memory_space<hbm>> -> memref<1x128x128xf32, #tpu.memory_space<hbm>>
      %dma_wait3A_920 = tpu.memref_squeeze %dma_wait3A_919 : memref<1x128x128xf32, #tpu.memory_space<hbm>> -> memref<128x128xf32, #tpu.memory_space<hbm>>
      %dma_wait3A_921 = arith.constant 0 : i32
      %dma_wait3A_922 = arith.constant 0 : i32
      %dma_wait3A_923 = tpu.memref_slice %arg4[%add3A_911, %dma_wait3A_921, %dma_wait3A_922] : memref<6400x128x128xf32, #tpu.memory_space<hbm>> -> memref<1x128x128xf32, #tpu.memory_space<hbm>>
      %dma_wait3A_924 = tpu.memref_squeeze %dma_wait3A_923 : memref<1x128x128xf32, #tpu.memory_space<hbm>> -> memref<128x128xf32, #tpu.memory_space<hbm>>
      %dma_wait3A_925 = arith.constant 0 : i32
      %dma_wait3A_926 = arith.constant 0 : i32
      %dma_wait3A_927 = tpu.memref_slice %arg6[%dma_wait3A_912, %dma_wait3A_925, %dma_wait3A_926] : memref<6x128x128xf32, #tpu.memory_space<vmem>> -> memref<1x128x128xf32, #tpu.memory_space<vmem>>
      %dma_wait3A_928 = tpu.memref_squeeze %dma_wait3A_927 : memref<1x128x128xf32, #tpu.memory_space<vmem>> -> memref<128x128xf32, #tpu.memory_space<vmem>>
      tpu.wait_dma2 semaphore(%arg17 : memref<!tpu.dma_semaphore, #tpu.memory_space<semaphore_mem>>) src(%dma_wait3A_928 : memref<128x128xf32, #tpu.memory_space<vmem>>) dst(%dma_wait3A_924 : memref<128x128xf32, #tpu.memory_space<hbm>>)
      %add3A_929 = arith.constant 4 : i32
      %add3A_930 = arith.addi %add3A_880, %add3A_929 : i32
      %dma_start3A_931 = arith.constant 4 : i32
      %dma_start3A_932 = arith.constant 0 : i32
      %dma_start3A_933 = arith.constant 0 : i32
      %dma_start3A_934 = tpu.memref_slice %arg6[%dma_start3A_931, %dma_start3A_932, %dma_start3A_933] : memref<6x128x128xf32, #tpu.memory_space<vmem>> -> memref<1x128x128xf32, #tpu.memory_space<vmem>>
      %dma_start3A_935 = tpu.memref_squeeze %dma_start3A_934 : memref<1x128x128xf32, #tpu.memory_space<vmem>> -> memref<128x128xf32, #tpu.memory_space<vmem>>
      %dma_start3A_936 = arith.constant 0 : i32
      %dma_start3A_937 = tpu.memref_slice %arg5[%add3A_930, %dma_start3A_936] : memref<200x128xi32, #tpu.memory_space<vmem>> -> memref<1x128xi32, #tpu.memory_space<vmem>>
      %dma_start3A_938 = tpu.memref_squeeze %dma_start3A_937 : memref<1x128xi32, #tpu.memory_space<vmem>> -> memref<128xi32, #tpu.memory_space<vmem>>
      %dma_start3A_939 = arith.constant 0 : i32
      %dma_start3A_940 = arith.constant 0 : i32
      %dma_start3A_941 = tpu.memref_slice %arg3[%dma_start3A_939, %dma_start3A_940] : memref<100000x128xf32, #tpu.memory_space<hbm>> -> memref<100000x128xf32, #tpu.memory_space<hbm>>
      tpu.enqueue_indirect_dma source(%dma_start3A_941 : memref<100000x128xf32, #tpu.memory_space<hbm>>) target(%dma_start3A_935 : memref<128x128xf32, #tpu.memory_space<vmem>>) offsets(%dma_start3A_938 : memref<128xi32, #tpu.memory_space<vmem>>) semaphore(%arg11 : memref<!tpu.dma_semaphore, #tpu.memory_space<semaphore_mem>>)
      %mul3A_942 = arith.constant 6 : i32
      %mul3A_943 = arith.muli %mul3A_942, %scan3A_874 : i32
      %add3A_944 = arith.constant 6 : i32
      %add3A_945 = arith.addi %add3A_944, %mul3A_943 : i32
      %add3A_946 = arith.constant 1 : i32
      %add3A_947 = arith.addi %add3A_945, %add3A_946 : i32
      %dma_wait3A_948 = arith.constant 1 : i32
      %dma_wait3A_949 = arith.constant 0 : i32
      %dma_wait3A_950 = arith.constant 0 : i32
      %dma_wait3A_951 = tpu.memref_slice %arg6[%dma_wait3A_948, %dma_wait3A_949, %dma_wait3A_950] : memref<6x128x128xf32, #tpu.memory_space<vmem>> -> memref<1x128x128xf32, #tpu.memory_space<vmem>>
      %dma_wait3A_952 = tpu.memref_squeeze %dma_wait3A_951 : memref<1x128x128xf32, #tpu.memory_space<vmem>> -> memref<128x128xf32, #tpu.memory_space<vmem>>
      %dma_wait3A_953 = arith.constant 0 : i32
      %dma_wait3A_954 = tpu.memref_slice %arg5[%add3A_947, %dma_wait3A_953] : memref<200x128xi32, #tpu.memory_space<vmem>> -> memref<1x128xi32, #tpu.memory_space<vmem>>
      %dma_wait3A_955 = tpu.memref_squeeze %dma_wait3A_954 : memref<1x128xi32, #tpu.memory_space<vmem>> -> memref<128xi32, #tpu.memory_space<vmem>>
      %dma_wait3A_956 = arith.constant 0 : i32
      %dma_wait3A_957 = arith.constant 0 : i32
      %dma_wait3A_958 = tpu.memref_slice %arg3[%dma_wait3A_956, %dma_wait3A_957] : memref<100000x128xf32, #tpu.memory_space<hbm>> -> memref<100000x128xf32, #tpu.memory_space<hbm>>
      tpu.wait_indirect_dma semaphore(%arg8 : memref<!tpu.dma_semaphore, #tpu.memory_space<semaphore_mem>>) src(%dma_wait3A_958 : memref<100000x128xf32, #tpu.memory_space<hbm>>) dst(%dma_wait3A_952 : memref<128x128xf32, #tpu.memory_space<vmem>>)
      %add3A_959 = arith.addi %mul3A_2, %add3A_947 : i32
      %dma_start3A_960 = arith.constant 1 : i32
      %dma_start3A_961 = arith.constant 0 : i32
      %dma_start3A_962 = arith.constant 0 : i32
      %dma_start3A_963 = tpu.memref_slice %arg6[%dma_start3A_960, %dma_start3A_961, %dma_start3A_962] : memref<6x128x128xf32, #tpu.memory_space<vmem>> -> memref<1x128x128xf32, #tpu.memory_space<vmem>>
      %dma_start3A_964 = tpu.memref_squeeze %dma_start3A_963 : memref<1x128x128xf32, #tpu.memory_space<vmem>> -> memref<128x128xf32, #tpu.memory_space<vmem>>
      %dma_start3A_965 = arith.constant 0 : i32
      %dma_start3A_966 = arith.constant 0 : i32
      %dma_start3A_967 = tpu.memref_slice %arg4[%add3A_959, %dma_start3A_965, %dma_start3A_966] : memref<6400x128x128xf32, #tpu.memory_space<hbm>> -> memref<1x128x128xf32, #tpu.memory_space<hbm>>
      %dma_start3A_968 = tpu.memref_squeeze %dma_start3A_967 : memref<1x128x128xf32, #tpu.memory_space<hbm>> -> memref<128x128xf32, #tpu.memory_space<hbm>>
      %dma_start3A_969 = arith.constant 0 : i32
      %dma_start3A_970 = arith.constant 0 : i32
      %dma_start3A_971 = tpu.memref_slice %arg4[%add3A_959, %dma_start3A_969, %dma_start3A_970] : memref<6400x128x128xf32, #tpu.memory_space<hbm>> -> memref<1x128x128xf32, #tpu.memory_space<hbm>>
      %dma_start3A_972 = tpu.memref_squeeze %dma_start3A_971 : memref<1x128x128xf32, #tpu.memory_space<hbm>> -> memref<128x128xf32, #tpu.memory_space<hbm>>
      %dma_start3A_973 = arith.constant 0 : i32
      %dma_start3A_974 = arith.constant 0 : i32
      %dma_start3A_975 = tpu.memref_slice %arg6[%dma_start3A_960, %dma_start3A_973, %dma_start3A_974] : memref<6x128x128xf32, #tpu.memory_space<vmem>> -> memref<1x128x128xf32, #tpu.memory_space<vmem>>
      %dma_start3A_976 = tpu.memref_squeeze %dma_start3A_975 : memref<1x128x128xf32, #tpu.memory_space<vmem>> -> memref<128x128xf32, #tpu.memory_space<vmem>>
      tpu.enqueue_dma source(%dma_start3A_976 : memref<128x128xf32, #tpu.memory_space<vmem>>) target(%dma_start3A_972 : memref<128x128xf32, #tpu.memory_space<hbm>>) target_semaphore(%arg14 : memref<!tpu.dma_semaphore, #tpu.memory_space<semaphore_mem>>)
      %sub3A_977 = arith.constant 2 : i32
      %sub3A_978 = arith.subi %add3A_947, %sub3A_977 : i32
      %add3A_979 = arith.addi %mul3A_2, %sub3A_978 : i32
      %dma_wait3A_980 = arith.constant 5 : i32
      %dma_wait3A_981 = arith.constant 0 : i32
      %dma_wait3A_982 = arith.constant 0 : i32
      %dma_wait3A_983 = tpu.memref_slice %arg6[%dma_wait3A_980, %dma_wait3A_981, %dma_wait3A_982] : memref<6x128x128xf32, #tpu.memory_space<vmem>> -> memref<1x128x128xf32, #tpu.memory_space<vmem>>
      %dma_wait3A_984 = tpu.memref_squeeze %dma_wait3A_983 : memref<1x128x128xf32, #tpu.memory_space<vmem>> -> memref<128x128xf32, #tpu.memory_space<vmem>>
      %dma_wait3A_985 = arith.constant 0 : i32
      %dma_wait3A_986 = arith.constant 0 : i32
      %dma_wait3A_987 = tpu.memref_slice %arg4[%add3A_979, %dma_wait3A_985, %dma_wait3A_986] : memref<6400x128x128xf32, #tpu.memory_space<hbm>> -> memref<1x128x128xf32, #tpu.memory_space<hbm>>
      %dma_wait3A_988 = tpu.memref_squeeze %dma_wait3A_987 : memref<1x128x128xf32, #tpu.memory_space<hbm>> -> memref<128x128xf32, #tpu.memory_space<hbm>>
      %dma_wait3A_989 = arith.constant 0 : i32
      %dma_wait3A_990 = arith.constant 0 : i32
      %dma_wait3A_991 = tpu.memref_slice %arg4[%add3A_979, %dma_wait3A_989, %dma_wait3A_990] : memref<6400x128x128xf32, #tpu.memory_space<hbm>> -> memref<1x128x128xf32, #tpu.memory_space<hbm>>
      %dma_wait3A_992 = tpu.memref_squeeze %dma_wait3A_991 : memref<1x128x128xf32, #tpu.memory_space<hbm>> -> memref<128x128xf32, #tpu.memory_space<hbm>>
      %dma_wait3A_993 = arith.constant 0 : i32
      %dma_wait3A_994 = arith.constant 0 : i32
      %dma_wait3A_995 = tpu.memref_slice %arg6[%dma_wait3A_980, %dma_wait3A_993, %dma_wait3A_994] : memref<6x128x128xf32, #tpu.memory_space<vmem>> -> memref<1x128x128xf32, #tpu.memory_space<vmem>>
      %dma_wait3A_996 = tpu.memref_squeeze %dma_wait3A_995 : memref<1x128x128xf32, #tpu.memory_space<vmem>> -> memref<128x128xf32, #tpu.memory_space<vmem>>
      tpu.wait_dma2 semaphore(%arg18 : memref<!tpu.dma_semaphore, #tpu.memory_space<semaphore_mem>>) src(%dma_wait3A_996 : memref<128x128xf32, #tpu.memory_space<vmem>>) dst(%dma_wait3A_992 : memref<128x128xf32, #tpu.memory_space<hbm>>)
      %add3A_997 = arith.constant 4 : i32
      %add3A_998 = arith.addi %add3A_947, %add3A_997 : i32
      %dma_start3A_999 = arith.constant 5 : i32
      %dma_start3A_1000 = arith.constant 0 : i32
      %dma_start3A_1001 = arith.constant 0 : i32
      %dma_start3A_1002 = tpu.memref_slice %arg6[%dma_start3A_999, %dma_start3A_1000, %dma_start3A_1001] : memref<6x128x128xf32, #tpu.memory_space<vmem>> -> memref<1x128x128xf32, #tpu.memory_space<vmem>>
      %dma_start3A_1003 = tpu.memref_squeeze %dma_start3A_1002 : memref<1x128x128xf32, #tpu.memory_space<vmem>> -> memref<128x128xf32, #tpu.memory_space<vmem>>
      %dma_start3A_1004 = arith.constant 0 : i32
      %dma_start3A_1005 = tpu.memref_slice %arg5[%add3A_998, %dma_start3A_1004] : memref<200x128xi32, #tpu.memory_space<vmem>> -> memref<1x128xi32, #tpu.memory_space<vmem>>
      %dma_start3A_1006 = tpu.memref_squeeze %dma_start3A_1005 : memref<1x128xi32, #tpu.memory_space<vmem>> -> memref<128xi32, #tpu.memory_space<vmem>>
      %dma_start3A_1007 = arith.constant 0 : i32
      %dma_start3A_1008 = arith.constant 0 : i32
      %dma_start3A_1009 = tpu.memref_slice %arg3[%dma_start3A_1007, %dma_start3A_1008] : memref<100000x128xf32, #tpu.memory_space<hbm>> -> memref<100000x128xf32, #tpu.memory_space<hbm>>
      tpu.enqueue_indirect_dma source(%dma_start3A_1009 : memref<100000x128xf32, #tpu.memory_space<hbm>>) target(%dma_start3A_1003 : memref<128x128xf32, #tpu.memory_space<vmem>>) offsets(%dma_start3A_1006 : memref<128xi32, #tpu.memory_space<vmem>>) semaphore(%arg12 : memref<!tpu.dma_semaphore, #tpu.memory_space<semaphore_mem>>)
      %mul3A_1010 = arith.constant 6 : i32
      %mul3A_1011 = arith.muli %mul3A_1010, %scan3A_874 : i32
      %add3A_1012 = arith.constant 6 : i32
      %add3A_1013 = arith.addi %add3A_1012, %mul3A_1011 : i32
      %add3A_1014 = arith.constant 2 : i32
      %add3A_1015 = arith.addi %add3A_1013, %add3A_1014 : i32
      %dma_wait3A_1016 = arith.constant 2 : i32
      %dma_wait3A_1017 = arith.constant 0 : i32
      %dma_wait3A_1018 = arith.constant 0 : i32
      %dma_wait3A_1019 = tpu.memref_slice %arg6[%dma_wait3A_1016, %dma_wait3A_1017, %dma_wait3A_1018] : memref<6x128x128xf32, #tpu.memory_space<vmem>> -> memref<1x128x128xf32, #tpu.memory_space<vmem>>
      %dma_wait3A_1020 = tpu.memref_squeeze %dma_wait3A_1019 : memref<1x128x128xf32, #tpu.memory_space<vmem>> -> memref<128x128xf32, #tpu.memory_space<vmem>>
      %dma_wait3A_1021 = arith.constant 0 : i32
      %dma_wait3A_1022 = tpu.memref_slice %arg5[%add3A_1015, %dma_wait3A_1021] : memref<200x128xi32, #tpu.memory_space<vmem>> -> memref<1x128xi32, #tpu.memory_space<vmem>>
      %dma_wait3A_1023 = tpu.memref_squeeze %dma_wait3A_1022 : memref<1x128xi32, #tpu.memory_space<vmem>> -> memref<128xi32, #tpu.memory_space<vmem>>
      %dma_wait3A_1024 = arith.constant 0 : i32
      %dma_wait3A_1025 = arith.constant 0 : i32
      %dma_wait3A_1026 = tpu.memref_slice %arg3[%dma_wait3A_1024, %dma_wait3A_1025] : memref<100000x128xf32, #tpu.memory_space<hbm>> -> memref<100000x128xf32, #tpu.memory_space<hbm>>
      tpu.wait_indirect_dma semaphore(%arg9 : memref<!tpu.dma_semaphore, #tpu.memory_space<semaphore_mem>>) src(%dma_wait3A_1026 : memref<100000x128xf32, #tpu.memory_space<hbm>>) dst(%dma_wait3A_1020 : memref<128x128xf32, #tpu.memory_space<vmem>>)
      %add3A_1027 = arith.addi %mul3A_2, %add3A_1015 : i32
      %dma_start3A_1028 = arith.constant 2 : i32
      %dma_start3A_1029 = arith.constant 0 : i32
      %dma_start3A_1030 = arith.constant 0 : i32
      %dma_start3A_1031 = tpu.memref_slice %arg6[%dma_start3A_1028, %dma_start3A_1029, %dma_start3A_1030] : memref<6x128x128xf32, #tpu.memory_space<vmem>> -> memref<1x128x128xf32, #tpu.memory_space<vmem>>
      %dma_start3A_1032 = tpu.memref_squeeze %dma_start3A_1031 : memref<1x128x128xf32, #tpu.memory_space<vmem>> -> memref<128x128xf32, #tpu.memory_space<vmem>>
      %dma_start3A_1033 = arith.constant 0 : i32
      %dma_start3A_1034 = arith.constant 0 : i32
      %dma_start3A_1035 = tpu.memref_slice %arg4[%add3A_1027, %dma_start3A_1033, %dma_start3A_1034] : memref<6400x128x128xf32, #tpu.memory_space<hbm>> -> memref<1x128x128xf32, #tpu.memory_space<hbm>>
      %dma_start3A_1036 = tpu.memref_squeeze %dma_start3A_1035 : memref<1x128x128xf32, #tpu.memory_space<hbm>> -> memref<128x128xf32, #tpu.memory_space<hbm>>
      %dma_start3A_1037 = arith.constant 0 : i32
      %dma_start3A_1038 = arith.constant 0 : i32
      %dma_start3A_1039 = tpu.memref_slice %arg4[%add3A_1027, %dma_start3A_1037, %dma_start3A_1038] : memref<6400x128x128xf32, #tpu.memory_space<hbm>> -> memref<1x128x128xf32, #tpu.memory_space<hbm>>
      %dma_start3A_1040 = tpu.memref_squeeze %dma_start3A_1039 : memref<1x128x128xf32, #tpu.memory_space<hbm>> -> memref<128x128xf32, #tpu.memory_space<hbm>>
      %dma_start3A_1041 = arith.constant 0 : i32
      %dma_start3A_1042 = arith.constant 0 : i32
      %dma_start3A_1043 = tpu.memref_slice %arg6[%dma_start3A_1028, %dma_start3A_1041, %dma_start3A_1042] : memref<6x128x128xf32, #tpu.memory_space<vmem>> -> memref<1x128x128xf32, #tpu.memory_space<vmem>>
      %dma_start3A_1044 = tpu.memref_squeeze %dma_start3A_1043 : memref<1x128x128xf32, #tpu.memory_space<vmem>> -> memref<128x128xf32, #tpu.memory_space<vmem>>
      tpu.enqueue_dma source(%dma_start3A_1044 : memref<128x128xf32, #tpu.memory_space<vmem>>) target(%dma_start3A_1040 : memref<128x128xf32, #tpu.memory_space<hbm>>) target_semaphore(%arg15 : memref<!tpu.dma_semaphore, #tpu.memory_space<semaphore_mem>>)
      %sub3A_1045 = arith.constant 2 : i32
      %sub3A_1046 = arith.subi %add3A_1015, %sub3A_1045 : i32
      %add3A_1047 = arith.addi %mul3A_2, %sub3A_1046 : i32
      %dma_wait3A_1048 = arith.constant 0 : i32
      %dma_wait3A_1049 = arith.constant 0 : i32
      %dma_wait3A_1050 = arith.constant 0 : i32
      %dma_wait3A_1051 = tpu.memref_slice %arg6[%dma_wait3A_1048, %dma_wait3A_1049, %dma_wait3A_1050] : memref<6x128x128xf32, #tpu.memory_space<vmem>> -> memref<1x128x128xf32, #tpu.memory_space<vmem>>
      %dma_wait3A_1052 = tpu.memref_squeeze %dma_wait3A_1051 : memref<1x128x128xf32, #tpu.memory_space<vmem>> -> memref<128x128xf32, #tpu.memory_space<vmem>>
      %dma_wait3A_1053 = arith.constant 0 : i32
      %dma_wait3A_1054 = arith.constant 0 : i32
      %dma_wait3A_1055 = tpu.memref_slice %arg4[%add3A_1047, %dma_wait3A_1053, %dma_wait3A_1054] : memref<6400x128x128xf32, #tpu.memory_space<hbm>> -> memref<1x128x128xf32, #tpu.memory_space<hbm>>
      %dma_wait3A_1056 = tpu.memref_squeeze %dma_wait3A_1055 : memref<1x128x128xf32, #tpu.memory_space<hbm>> -> memref<128x128xf32, #tpu.memory_space<hbm>>
      %dma_wait3A_1057 = arith.constant 0 : i32
      %dma_wait3A_1058 = arith.constant 0 : i32
      %dma_wait3A_1059 = tpu.memref_slice %arg4[%add3A_1047, %dma_wait3A_1057, %dma_wait3A_1058] : memref<6400x128x128xf32, #tpu.memory_space<hbm>> -> memref<1x128x128xf32, #tpu.memory_space<hbm>>
      %dma_wait3A_1060 = tpu.memref_squeeze %dma_wait3A_1059 : memref<1x128x128xf32, #tpu.memory_space<hbm>> -> memref<128x128xf32, #tpu.memory_space<hbm>>
      %dma_wait3A_1061 = arith.constant 0 : i32
      %dma_wait3A_1062 = arith.constant 0 : i32
      %dma_wait3A_1063 = tpu.memref_slice %arg6[%dma_wait3A_1048, %dma_wait3A_1061, %dma_wait3A_1062] : memref<6x128x128xf32, #tpu.memory_space<vmem>> -> memref<1x128x128xf32, #tpu.memory_space<vmem>>
      %dma_wait3A_1064 = tpu.memref_squeeze %dma_wait3A_1063 : memref<1x128x128xf32, #tpu.memory_space<vmem>> -> memref<128x128xf32, #tpu.memory_space<vmem>>
      tpu.wait_dma2 semaphore(%arg13 : memref<!tpu.dma_semaphore, #tpu.memory_space<semaphore_mem>>) src(%dma_wait3A_1064 : memref<128x128xf32, #tpu.memory_space<vmem>>) dst(%dma_wait3A_1060 : memref<128x128xf32, #tpu.memory_space<hbm>>)
      %add3A_1065 = arith.constant 4 : i32
      %add3A_1066 = arith.addi %add3A_1015, %add3A_1065 : i32
      %dma_start3A_1067 = arith.constant 0 : i32
      %dma_start3A_1068 = arith.constant 0 : i32
      %dma_start3A_1069 = arith.constant 0 : i32
      %dma_start3A_1070 = tpu.memref_slice %arg6[%dma_start3A_1067, %dma_start3A_1068, %dma_start3A_1069] : memref<6x128x128xf32, #tpu.memory_space<vmem>> -> memref<1x128x128xf32, #tpu.memory_space<vmem>>
      %dma_start3A_1071 = tpu.memref_squeeze %dma_start3A_1070 : memref<1x128x128xf32, #tpu.memory_space<vmem>> -> memref<128x128xf32, #tpu.memory_space<vmem>>
      %dma_start3A_1072 = arith.constant 0 : i32
      %dma_start3A_1073 = tpu.memref_slice %arg5[%add3A_1066, %dma_start3A_1072] : memref<200x128xi32, #tpu.memory_space<vmem>> -> memref<1x128xi32, #tpu.memory_space<vmem>>
      %dma_start3A_1074 = tpu.memref_squeeze %dma_start3A_1073 : memref<1x128xi32, #tpu.memory_space<vmem>> -> memref<128xi32, #tpu.memory_space<vmem>>
      %dma_start3A_1075 = arith.constant 0 : i32
      %dma_start3A_1076 = arith.constant 0 : i32
      %dma_start3A_1077 = tpu.memref_slice %arg3[%dma_start3A_1075, %dma_start3A_1076] : memref<100000x128xf32, #tpu.memory_space<hbm>> -> memref<100000x128xf32, #tpu.memory_space<hbm>>
      tpu.enqueue_indirect_dma source(%dma_start3A_1077 : memref<100000x128xf32, #tpu.memory_space<hbm>>) target(%dma_start3A_1071 : memref<128x128xf32, #tpu.memory_space<vmem>>) offsets(%dma_start3A_1074 : memref<128xi32, #tpu.memory_space<vmem>>) semaphore(%arg7 : memref<!tpu.dma_semaphore, #tpu.memory_space<semaphore_mem>>)
      %mul3A_1078 = arith.constant 6 : i32
      %mul3A_1079 = arith.muli %mul3A_1078, %scan3A_874 : i32
      %add3A_1080 = arith.constant 6 : i32
      %add3A_1081 = arith.addi %add3A_1080, %mul3A_1079 : i32
      %add3A_1082 = arith.constant 3 : i32
      %add3A_1083 = arith.addi %add3A_1081, %add3A_1082 : i32
      %dma_wait3A_1084 = arith.constant 3 : i32
      %dma_wait3A_1085 = arith.constant 0 : i32
      %dma_wait3A_1086 = arith.constant 0 : i32
      %dma_wait3A_1087 = tpu.memref_slice %arg6[%dma_wait3A_1084, %dma_wait3A_1085, %dma_wait3A_1086] : memref<6x128x128xf32, #tpu.memory_space<vmem>> -> memref<1x128x128xf32, #tpu.memory_space<vmem>>
      %dma_wait3A_1088 = tpu.memref_squeeze %dma_wait3A_1087 : memref<1x128x128xf32, #tpu.memory_space<vmem>> -> memref<128x128xf32, #tpu.memory_space<vmem>>
      %dma_wait3A_1089 = arith.constant 0 : i32
      %dma_wait3A_1090 = tpu.memref_slice %arg5[%add3A_1083, %dma_wait3A_1089] : memref<200x128xi32, #tpu.memory_space<vmem>> -> memref<1x128xi32, #tpu.memory_space<vmem>>
      %dma_wait3A_1091 = tpu.memref_squeeze %dma_wait3A_1090 : memref<1x128xi32, #tpu.memory_space<vmem>> -> memref<128xi32, #tpu.memory_space<vmem>>
      %dma_wait3A_1092 = arith.constant 0 : i32
      %dma_wait3A_1093 = arith.constant 0 : i32
      %dma_wait3A_1094 = tpu.memref_slice %arg3[%dma_wait3A_1092, %dma_wait3A_1093] : memref<100000x128xf32, #tpu.memory_space<hbm>> -> memref<100000x128xf32, #tpu.memory_space<hbm>>
      tpu.wait_indirect_dma semaphore(%arg10 : memref<!tpu.dma_semaphore, #tpu.memory_space<semaphore_mem>>) src(%dma_wait3A_1094 : memref<100000x128xf32, #tpu.memory_space<hbm>>) dst(%dma_wait3A_1088 : memref<128x128xf32, #tpu.memory_space<vmem>>)
      %add3A_1095 = arith.addi %mul3A_2, %add3A_1083 : i32
      %dma_start3A_1096 = arith.constant 3 : i32
      %dma_start3A_1097 = arith.constant 0 : i32
      %dma_start3A_1098 = arith.constant 0 : i32
      %dma_start3A_1099 = tpu.memref_slice %arg6[%dma_start3A_1096, %dma_start3A_1097, %dma_start3A_1098] : memref<6x128x128xf32, #tpu.memory_space<vmem>> -> memref<1x128x128xf32, #tpu.memory_space<vmem>>
      %dma_start3A_1100 = tpu.memref_squeeze %dma_start3A_1099 : memref<1x128x128xf32, #tpu.memory_space<vmem>> -> memref<128x128xf32, #tpu.memory_space<vmem>>
      %dma_start3A_1101 = arith.constant 0 : i32
      %dma_start3A_1102 = arith.constant 0 : i32
      %dma_start3A_1103 = tpu.memref_slice %arg4[%add3A_1095, %dma_start3A_1101, %dma_start3A_1102] : memref<6400x128x128xf32, #tpu.memory_space<hbm>> -> memref<1x128x128xf32, #tpu.memory_space<hbm>>
      %dma_start3A_1104 = tpu.memref_squeeze %dma_start3A_1103 : memref<1x128x128xf32, #tpu.memory_space<hbm>> -> memref<128x128xf32, #tpu.memory_space<hbm>>
      %dma_start3A_1105 = arith.constant 0 : i32
      %dma_start3A_1106 = arith.constant 0 : i32
      %dma_start3A_1107 = tpu.memref_slice %arg4[%add3A_1095, %dma_start3A_1105, %dma_start3A_1106] : memref<6400x128x128xf32, #tpu.memory_space<hbm>> -> memref<1x128x128xf32, #tpu.memory_space<hbm>>
      %dma_start3A_1108 = tpu.memref_squeeze %dma_start3A_1107 : memref<1x128x128xf32, #tpu.memory_space<hbm>> -> memref<128x128xf32, #tpu.memory_space<hbm>>
      %dma_start3A_1109 = arith.constant 0 : i32
      %dma_start3A_1110 = arith.constant 0 : i32
      %dma_start3A_1111 = tpu.memref_slice %arg6[%dma_start3A_1096, %dma_start3A_1109, %dma_start3A_1110] : memref<6x128x128xf32, #tpu.memory_space<vmem>> -> memref<1x128x128xf32, #tpu.memory_space<vmem>>
      %dma_start3A_1112 = tpu.memref_squeeze %dma_start3A_1111 : memref<1x128x128xf32, #tpu.memory_space<vmem>> -> memref<128x128xf32, #tpu.memory_space<vmem>>
      tpu.enqueue_dma source(%dma_start3A_1112 : memref<128x128xf32, #tpu.memory_space<vmem>>) target(%dma_start3A_1108 : memref<128x128xf32, #tpu.memory_space<hbm>>) target_semaphore(%arg16 : memref<!tpu.dma_semaphore, #tpu.memory_space<semaphore_mem>>)
      %sub3A_1113 = arith.constant 2 : i32
      %sub3A_1114 = arith.subi %add3A_1083, %sub3A_1113 : i32
      %add3A_1115 = arith.addi %mul3A_2, %sub3A_1114 : i32
      %dma_wait3A_1116 = arith.constant 1 : i32
      %dma_wait3A_1117 = arith.constant 0 : i32
      %dma_wait3A_1118 = arith.constant 0 : i32
      %dma_wait3A_1119 = tpu.memref_slice %arg6[%dma_wait3A_1116, %dma_wait3A_1117, %dma_wait3A_1118] : memref<6x128x128xf32, #tpu.memory_space<vmem>> -> memref<1x128x128xf32, #tpu.memory_space<vmem>>
      %dma_wait3A_1120 = tpu.memref_squeeze %dma_wait3A_1119 : memref<1x128x128xf32, #tpu.memory_space<vmem>> -> memref<128x128xf32, #tpu.memory_space<vmem>>
      %dma_wait3A_1121 = arith.constant 0 : i32
      %dma_wait3A_1122 = arith.constant 0 : i32
      %dma_wait3A_1123 = tpu.memref_slice %arg4[%add3A_1115, %dma_wait3A_1121, %dma_wait3A_1122] : memref<6400x128x128xf32, #tpu.memory_space<hbm>> -> memref<1x128x128xf32, #tpu.memory_space<hbm>>
      %dma_wait3A_1124 = tpu.memref_squeeze %dma_wait3A_1123 : memref<1x128x128xf32, #tpu.memory_space<hbm>> -> memref<128x128xf32, #tpu.memory_space<hbm>>
      %dma_wait3A_1125 = arith.constant 0 : i32
      %dma_wait3A_1126 = arith.constant 0 : i32
      %dma_wait3A_1127 = tpu.memref_slice %arg4[%add3A_1115, %dma_wait3A_1125, %dma_wait3A_1126] : memref<6400x128x128xf32, #tpu.memory_space<hbm>> -> memref<1x128x128xf32, #tpu.memory_space<hbm>>
      %dma_wait3A_1128 = tpu.memref_squeeze %dma_wait3A_1127 : memref<1x128x128xf32, #tpu.memory_space<hbm>> -> memref<128x128xf32, #tpu.memory_space<hbm>>
      %dma_wait3A_1129 = arith.constant 0 : i32
      %dma_wait3A_1130 = arith.constant 0 : i32
      %dma_wait3A_1131 = tpu.memref_slice %arg6[%dma_wait3A_1116, %dma_wait3A_1129, %dma_wait3A_1130] : memref<6x128x128xf32, #tpu.memory_space<vmem>> -> memref<1x128x128xf32, #tpu.memory_space<vmem>>
      %dma_wait3A_1132 = tpu.memref_squeeze %dma_wait3A_1131 : memref<1x128x128xf32, #tpu.memory_space<vmem>> -> memref<128x128xf32, #tpu.memory_space<vmem>>
      tpu.wait_dma2 semaphore(%arg14 : memref<!tpu.dma_semaphore, #tpu.memory_space<semaphore_mem>>) src(%dma_wait3A_1132 : memref<128x128xf32, #tpu.memory_space<vmem>>) dst(%dma_wait3A_1128 : memref<128x128xf32, #tpu.memory_space<hbm>>)
      %add3A_1133 = arith.constant 4 : i32
      %add3A_1134 = arith.addi %add3A_1083, %add3A_1133 : i32
      %dma_start3A_1135 = arith.constant 1 : i32
      %dma_start3A_1136 = arith.constant 0 : i32
      %dma_start3A_1137 = arith.constant 0 : i32
      %dma_start3A_1138 = tpu.memref_slice %arg6[%dma_start3A_1135, %dma_start3A_1136, %dma_start3A_1137] : memref<6x128x128xf32, #tpu.memory_space<vmem>> -> memref<1x128x128xf32, #tpu.memory_space<vmem>>
      %dma_start3A_1139 = tpu.memref_squeeze %dma_start3A_1138 : memref<1x128x128xf32, #tpu.memory_space<vmem>> -> memref<128x128xf32, #tpu.memory_space<vmem>>
      %dma_start3A_1140 = arith.constant 0 : i32
      %dma_start3A_1141 = tpu.memref_slice %arg5[%add3A_1134, %dma_start3A_1140] : memref<200x128xi32, #tpu.memory_space<vmem>> -> memref<1x128xi32, #tpu.memory_space<vmem>>
      %dma_start3A_1142 = tpu.memref_squeeze %dma_start3A_1141 : memref<1x128xi32, #tpu.memory_space<vmem>> -> memref<128xi32, #tpu.memory_space<vmem>>
      %dma_start3A_1143 = arith.constant 0 : i32
      %dma_start3A_1144 = arith.constant 0 : i32
      %dma_start3A_1145 = tpu.memref_slice %arg3[%dma_start3A_1143, %dma_start3A_1144] : memref<100000x128xf32, #tpu.memory_space<hbm>> -> memref<100000x128xf32, #tpu.memory_space<hbm>>
      tpu.enqueue_indirect_dma source(%dma_start3A_1145 : memref<100000x128xf32, #tpu.memory_space<hbm>>) target(%dma_start3A_1139 : memref<128x128xf32, #tpu.memory_space<vmem>>) offsets(%dma_start3A_1142 : memref<128xi32, #tpu.memory_space<vmem>>) semaphore(%arg8 : memref<!tpu.dma_semaphore, #tpu.memory_space<semaphore_mem>>)
      %mul3A_1146 = arith.constant 6 : i32
      %mul3A_1147 = arith.muli %mul3A_1146, %scan3A_874 : i32
      %add3A_1148 = arith.constant 6 : i32
      %add3A_1149 = arith.addi %add3A_1148, %mul3A_1147 : i32
      %add3A_1150 = arith.constant 4 : i32
      %add3A_1151 = arith.addi %add3A_1149, %add3A_1150 : i32
      %dma_wait3A_1152 = arith.constant 4 : i32
      %dma_wait3A_1153 = arith.constant 0 : i32
      %dma_wait3A_1154 = arith.constant 0 : i32
      %dma_wait3A_1155 = tpu.memref_slice %arg6[%dma_wait3A_1152, %dma_wait3A_1153, %dma_wait3A_1154] : memref<6x128x128xf32, #tpu.memory_space<vmem>> -> memref<1x128x128xf32, #tpu.memory_space<vmem>>
      %dma_wait3A_1156 = tpu.memref_squeeze %dma_wait3A_1155 : memref<1x128x128xf32, #tpu.memory_space<vmem>> -> memref<128x128xf32, #tpu.memory_space<vmem>>
      %dma_wait3A_1157 = arith.constant 0 : i32
      %dma_wait3A_1158 = tpu.memref_slice %arg5[%add3A_1151, %dma_wait3A_1157] : memref<200x128xi32, #tpu.memory_space<vmem>> -> memref<1x128xi32, #tpu.memory_space<vmem>>
      %dma_wait3A_1159 = tpu.memref_squeeze %dma_wait3A_1158 : memref<1x128xi32, #tpu.memory_space<vmem>> -> memref<128xi32, #tpu.memory_space<vmem>>
      %dma_wait3A_1160 = arith.constant 0 : i32
      %dma_wait3A_1161 = arith.constant 0 : i32
      %dma_wait3A_1162 = tpu.memref_slice %arg3[%dma_wait3A_1160, %dma_wait3A_1161] : memref<100000x128xf32, #tpu.memory_space<hbm>> -> memref<100000x128xf32, #tpu.memory_space<hbm>>
      tpu.wait_indirect_dma semaphore(%arg11 : memref<!tpu.dma_semaphore, #tpu.memory_space<semaphore_mem>>) src(%dma_wait3A_1162 : memref<100000x128xf32, #tpu.memory_space<hbm>>) dst(%dma_wait3A_1156 : memref<128x128xf32, #tpu.memory_space<vmem>>)
      %add3A_1163 = arith.addi %mul3A_2, %add3A_1151 : i32
      %dma_start3A_1164 = arith.constant 4 : i32
      %dma_start3A_1165 = arith.constant 0 : i32
      %dma_start3A_1166 = arith.constant 0 : i32
      %dma_start3A_1167 = tpu.memref_slice %arg6[%dma_start3A_1164, %dma_start3A_1165, %dma_start3A_1166] : memref<6x128x128xf32, #tpu.memory_space<vmem>> -> memref<1x128x128xf32, #tpu.memory_space<vmem>>
      %dma_start3A_1168 = tpu.memref_squeeze %dma_start3A_1167 : memref<1x128x128xf32, #tpu.memory_space<vmem>> -> memref<128x128xf32, #tpu.memory_space<vmem>>
      %dma_start3A_1169 = arith.constant 0 : i32
      %dma_start3A_1170 = arith.constant 0 : i32
      %dma_start3A_1171 = tpu.memref_slice %arg4[%add3A_1163, %dma_start3A_1169, %dma_start3A_1170] : memref<6400x128x128xf32, #tpu.memory_space<hbm>> -> memref<1x128x128xf32, #tpu.memory_space<hbm>>
      %dma_start3A_1172 = tpu.memref_squeeze %dma_start3A_1171 : memref<1x128x128xf32, #tpu.memory_space<hbm>> -> memref<128x128xf32, #tpu.memory_space<hbm>>
      %dma_start3A_1173 = arith.constant 0 : i32
      %dma_start3A_1174 = arith.constant 0 : i32
      %dma_start3A_1175 = tpu.memref_slice %arg4[%add3A_1163, %dma_start3A_1173, %dma_start3A_1174] : memref<6400x128x128xf32, #tpu.memory_space<hbm>> -> memref<1x128x128xf32, #tpu.memory_space<hbm>>
      %dma_start3A_1176 = tpu.memref_squeeze %dma_start3A_1175 : memref<1x128x128xf32, #tpu.memory_space<hbm>> -> memref<128x128xf32, #tpu.memory_space<hbm>>
      %dma_start3A_1177 = arith.constant 0 : i32
      %dma_start3A_1178 = arith.constant 0 : i32
      %dma_start3A_1179 = tpu.memref_slice %arg6[%dma_start3A_1164, %dma_start3A_1177, %dma_start3A_1178] : memref<6x128x128xf32, #tpu.memory_space<vmem>> -> memref<1x128x128xf32, #tpu.memory_space<vmem>>
      %dma_start3A_1180 = tpu.memref_squeeze %dma_start3A_1179 : memref<1x128x128xf32, #tpu.memory_space<vmem>> -> memref<128x128xf32, #tpu.memory_space<vmem>>
      tpu.enqueue_dma source(%dma_start3A_1180 : memref<128x128xf32, #tpu.memory_space<vmem>>) target(%dma_start3A_1176 : memref<128x128xf32, #tpu.memory_space<hbm>>) target_semaphore(%arg17 : memref<!tpu.dma_semaphore, #tpu.memory_space<semaphore_mem>>)
      %sub3A_1181 = arith.constant 2 : i32
      %sub3A_1182 = arith.subi %add3A_1151, %sub3A_1181 : i32
      %add3A_1183 = arith.addi %mul3A_2, %sub3A_1182 : i32
      %dma_wait3A_1184 = arith.constant 2 : i32
      %dma_wait3A_1185 = arith.constant 0 : i32
      %dma_wait3A_1186 = arith.constant 0 : i32
      %dma_wait3A_1187 = tpu.memref_slice %arg6[%dma_wait3A_1184, %dma_wait3A_1185, %dma_wait3A_1186] : memref<6x128x128xf32, #tpu.memory_space<vmem>> -> memref<1x128x128xf32, #tpu.memory_space<vmem>>
      %dma_wait3A_1188 = tpu.memref_squeeze %dma_wait3A_1187 : memref<1x128x128xf32, #tpu.memory_space<vmem>> -> memref<128x128xf32, #tpu.memory_space<vmem>>
      %dma_wait3A_1189 = arith.constant 0 : i32
      %dma_wait3A_1190 = arith.constant 0 : i32
      %dma_wait3A_1191 = tpu.memref_slice %arg4[%add3A_1183, %dma_wait3A_1189, %dma_wait3A_1190] : memref<6400x128x128xf32, #tpu.memory_space<hbm>> -> memref<1x128x128xf32, #tpu.memory_space<hbm>>
      %dma_wait3A_1192 = tpu.memref_squeeze %dma_wait3A_1191 : memref<1x128x128xf32, #tpu.memory_space<hbm>> -> memref<128x128xf32, #tpu.memory_space<hbm>>
      %dma_wait3A_1193 = arith.constant 0 : i32
      %dma_wait3A_1194 = arith.constant 0 : i32
      %dma_wait3A_1195 = tpu.memref_slice %arg4[%add3A_1183, %dma_wait3A_1193, %dma_wait3A_1194] : memref<6400x128x128xf32, #tpu.memory_space<hbm>> -> memref<1x128x128xf32, #tpu.memory_space<hbm>>
      %dma_wait3A_1196 = tpu.memref_squeeze %dma_wait3A_1195 : memref<1x128x128xf32, #tpu.memory_space<hbm>> -> memref<128x128xf32, #tpu.memory_space<hbm>>
      %dma_wait3A_1197 = arith.constant 0 : i32
      %dma_wait3A_1198 = arith.constant 0 : i32
      %dma_wait3A_1199 = tpu.memref_slice %arg6[%dma_wait3A_1184, %dma_wait3A_1197, %dma_wait3A_1198] : memref<6x128x128xf32, #tpu.memory_space<vmem>> -> memref<1x128x128xf32, #tpu.memory_space<vmem>>
      %dma_wait3A_1200 = tpu.memref_squeeze %dma_wait3A_1199 : memref<1x128x128xf32, #tpu.memory_space<vmem>> -> memref<128x128xf32, #tpu.memory_space<vmem>>
      tpu.wait_dma2 semaphore(%arg15 : memref<!tpu.dma_semaphore, #tpu.memory_space<semaphore_mem>>) src(%dma_wait3A_1200 : memref<128x128xf32, #tpu.memory_space<vmem>>) dst(%dma_wait3A_1196 : memref<128x128xf32, #tpu.memory_space<hbm>>)
      %add3A_1201 = arith.constant 4 : i32
      %add3A_1202 = arith.addi %add3A_1151, %add3A_1201 : i32
      %dma_start3A_1203 = arith.constant 2 : i32
      %dma_start3A_1204 = arith.constant 0 : i32
      %dma_start3A_1205 = arith.constant 0 : i32
      %dma_start3A_1206 = tpu.memref_slice %arg6[%dma_start3A_1203, %dma_start3A_1204, %dma_start3A_1205] : memref<6x128x128xf32, #tpu.memory_space<vmem>> -> memref<1x128x128xf32, #tpu.memory_space<vmem>>
      %dma_start3A_1207 = tpu.memref_squeeze %dma_start3A_1206 : memref<1x128x128xf32, #tpu.memory_space<vmem>> -> memref<128x128xf32, #tpu.memory_space<vmem>>
      %dma_start3A_1208 = arith.constant 0 : i32
      %dma_start3A_1209 = tpu.memref_slice %arg5[%add3A_1202, %dma_start3A_1208] : memref<200x128xi32, #tpu.memory_space<vmem>> -> memref<1x128xi32, #tpu.memory_space<vmem>>
      %dma_start3A_1210 = tpu.memref_squeeze %dma_start3A_1209 : memref<1x128xi32, #tpu.memory_space<vmem>> -> memref<128xi32, #tpu.memory_space<vmem>>
      %dma_start3A_1211 = arith.constant 0 : i32
      %dma_start3A_1212 = arith.constant 0 : i32
      %dma_start3A_1213 = tpu.memref_slice %arg3[%dma_start3A_1211, %dma_start3A_1212] : memref<100000x128xf32, #tpu.memory_space<hbm>> -> memref<100000x128xf32, #tpu.memory_space<hbm>>
      tpu.enqueue_indirect_dma source(%dma_start3A_1213 : memref<100000x128xf32, #tpu.memory_space<hbm>>) target(%dma_start3A_1207 : memref<128x128xf32, #tpu.memory_space<vmem>>) offsets(%dma_start3A_1210 : memref<128xi32, #tpu.memory_space<vmem>>) semaphore(%arg9 : memref<!tpu.dma_semaphore, #tpu.memory_space<semaphore_mem>>)
      %mul3A_1214 = arith.constant 6 : i32
      %mul3A_1215 = arith.muli %mul3A_1214, %scan3A_874 : i32
      %add3A_1216 = arith.constant 6 : i32
      %add3A_1217 = arith.addi %add3A_1216, %mul3A_1215 : i32
      %add3A_1218 = arith.constant 5 : i32
      %add3A_1219 = arith.addi %add3A_1217, %add3A_1218 : i32
      %dma_wait3A_1220 = arith.constant 5 : i32
      %dma_wait3A_1221 = arith.constant 0 : i32
      %dma_wait3A_1222 = arith.constant 0 : i32
      %dma_wait3A_1223 = tpu.memref_slice %arg6[%dma_wait3A_1220, %dma_wait3A_1221, %dma_wait3A_1222] : memref<6x128x128xf32, #tpu.memory_space<vmem>> -> memref<1x128x128xf32, #tpu.memory_space<vmem>>
      %dma_wait3A_1224 = tpu.memref_squeeze %dma_wait3A_1223 : memref<1x128x128xf32, #tpu.memory_space<vmem>> -> memref<128x128xf32, #tpu.memory_space<vmem>>
      %dma_wait3A_1225 = arith.constant 0 : i32
      %dma_wait3A_1226 = tpu.memref_slice %arg5[%add3A_1219, %dma_wait3A_1225] : memref<200x128xi32, #tpu.memory_space<vmem>> -> memref<1x128xi32, #tpu.memory_space<vmem>>
      %dma_wait3A_1227 = tpu.memref_squeeze %dma_wait3A_1226 : memref<1x128xi32, #tpu.memory_space<vmem>> -> memref<128xi32, #tpu.memory_space<vmem>>
      %dma_wait3A_1228 = arith.constant 0 : i32
      %dma_wait3A_1229 = arith.constant 0 : i32
      %dma_wait3A_1230 = tpu.memref_slice %arg3[%dma_wait3A_1228, %dma_wait3A_1229] : memref<100000x128xf32, #tpu.memory_space<hbm>> -> memref<100000x128xf32, #tpu.memory_space<hbm>>
      tpu.wait_indirect_dma semaphore(%arg12 : memref<!tpu.dma_semaphore, #tpu.memory_space<semaphore_mem>>) src(%dma_wait3A_1230 : memref<100000x128xf32, #tpu.memory_space<hbm>>) dst(%dma_wait3A_1224 : memref<128x128xf32, #tpu.memory_space<vmem>>)
      %add3A_1231 = arith.addi %mul3A_2, %add3A_1219 : i32
      %dma_start3A_1232 = arith.constant 5 : i32
      %dma_start3A_1233 = arith.constant 0 : i32
      %dma_start3A_1234 = arith.constant 0 : i32
      %dma_start3A_1235 = tpu.memref_slice %arg6[%dma_start3A_1232, %dma_start3A_1233, %dma_start3A_1234] : memref<6x128x128xf32, #tpu.memory_space<vmem>> -> memref<1x128x128xf32, #tpu.memory_space<vmem>>
      %dma_start3A_1236 = tpu.memref_squeeze %dma_start3A_1235 : memref<1x128x128xf32, #tpu.memory_space<vmem>> -> memref<128x128xf32, #tpu.memory_space<vmem>>
      %dma_start3A_1237 = arith.constant 0 : i32
      %dma_start3A_1238 = arith.constant 0 : i32
      %dma_start3A_1239 = tpu.memref_slice %arg4[%add3A_1231, %dma_start3A_1237, %dma_start3A_1238] : memref<6400x128x128xf32, #tpu.memory_space<hbm>> -> memref<1x128x128xf32, #tpu.memory_space<hbm>>
      %dma_start3A_1240 = tpu.memref_squeeze %dma_start3A_1239 : memref<1x128x128xf32, #tpu.memory_space<hbm>> -> memref<128x128xf32, #tpu.memory_space<hbm>>
      %dma_start3A_1241 = arith.constant 0 : i32
      %dma_start3A_1242 = arith.constant 0 : i32
      %dma_start3A_1243 = tpu.memref_slice %arg4[%add3A_1231, %dma_start3A_1241, %dma_start3A_1242] : memref<6400x128x128xf32, #tpu.memory_space<hbm>> -> memref<1x128x128xf32, #tpu.memory_space<hbm>>
      %dma_start3A_1244 = tpu.memref_squeeze %dma_start3A_1243 : memref<1x128x128xf32, #tpu.memory_space<hbm>> -> memref<128x128xf32, #tpu.memory_space<hbm>>
      %dma_start3A_1245 = arith.constant 0 : i32
      %dma_start3A_1246 = arith.constant 0 : i32
      %dma_start3A_1247 = tpu.memref_slice %arg6[%dma_start3A_1232, %dma_start3A_1245, %dma_start3A_1246] : memref<6x128x128xf32, #tpu.memory_space<vmem>> -> memref<1x128x128xf32, #tpu.memory_space<vmem>>
      %dma_start3A_1248 = tpu.memref_squeeze %dma_start3A_1247 : memref<1x128x128xf32, #tpu.memory_space<vmem>> -> memref<128x128xf32, #tpu.memory_space<vmem>>
      tpu.enqueue_dma source(%dma_start3A_1248 : memref<128x128xf32, #tpu.memory_space<vmem>>) target(%dma_start3A_1244 : memref<128x128xf32, #tpu.memory_space<hbm>>) target_semaphore(%arg18 : memref<!tpu.dma_semaphore, #tpu.memory_space<semaphore_mem>>)
      %sub3A_1249 = arith.constant 2 : i32
      %sub3A_1250 = arith.subi %add3A_1219, %sub3A_1249 : i32
      %add3A_1251 = arith.addi %mul3A_2, %sub3A_1250 : i32
      %dma_wait3A_1252 = arith.constant 3 : i32
      %dma_wait3A_1253 = arith.constant 0 : i32
      %dma_wait3A_1254 = arith.constant 0 : i32
      %dma_wait3A_1255 = tpu.memref_slice %arg6[%dma_wait3A_1252, %dma_wait3A_1253, %dma_wait3A_1254] : memref<6x128x128xf32, #tpu.memory_space<vmem>> -> memref<1x128x128xf32, #tpu.memory_space<vmem>>
      %dma_wait3A_1256 = tpu.memref_squeeze %dma_wait3A_1255 : memref<1x128x128xf32, #tpu.memory_space<vmem>> -> memref<128x128xf32, #tpu.memory_space<vmem>>
      %dma_wait3A_1257 = arith.constant 0 : i32
      %dma_wait3A_1258 = arith.constant 0 : i32
      %dma_wait3A_1259 = tpu.memref_slice %arg4[%add3A_1251, %dma_wait3A_1257, %dma_wait3A_1258] : memref<6400x128x128xf32, #tpu.memory_space<hbm>> -> memref<1x128x128xf32, #tpu.memory_space<hbm>>
      %dma_wait3A_1260 = tpu.memref_squeeze %dma_wait3A_1259 : memref<1x128x128xf32, #tpu.memory_space<hbm>> -> memref<128x128xf32, #tpu.memory_space<hbm>>
      %dma_wait3A_1261 = arith.constant 0 : i32
      %dma_wait3A_1262 = arith.constant 0 : i32
      %dma_wait3A_1263 = tpu.memref_slice %arg4[%add3A_1251, %dma_wait3A_1261, %dma_wait3A_1262] : memref<6400x128x128xf32, #tpu.memory_space<hbm>> -> memref<1x128x128xf32, #tpu.memory_space<hbm>>
      %dma_wait3A_1264 = tpu.memref_squeeze %dma_wait3A_1263 : memref<1x128x128xf32, #tpu.memory_space<hbm>> -> memref<128x128xf32, #tpu.memory_space<hbm>>
      %dma_wait3A_1265 = arith.constant 0 : i32
      %dma_wait3A_1266 = arith.constant 0 : i32
      %dma_wait3A_1267 = tpu.memref_slice %arg6[%dma_wait3A_1252, %dma_wait3A_1265, %dma_wait3A_1266] : memref<6x128x128xf32, #tpu.memory_space<vmem>> -> memref<1x128x128xf32, #tpu.memory_space<vmem>>
      %dma_wait3A_1268 = tpu.memref_squeeze %dma_wait3A_1267 : memref<1x128x128xf32, #tpu.memory_space<vmem>> -> memref<128x128xf32, #tpu.memory_space<vmem>>
      tpu.wait_dma2 semaphore(%arg16 : memref<!tpu.dma_semaphore, #tpu.memory_space<semaphore_mem>>) src(%dma_wait3A_1268 : memref<128x128xf32, #tpu.memory_space<vmem>>) dst(%dma_wait3A_1264 : memref<128x128xf32, #tpu.memory_space<hbm>>)
      %add3A_1269 = arith.constant 4 : i32
      %add3A_1270 = arith.addi %add3A_1219, %add3A_1269 : i32
      %dma_start3A_1271 = arith.constant 3 : i32
      %dma_start3A_1272 = arith.constant 0 : i32
      %dma_start3A_1273 = arith.constant 0 : i32
      %dma_start3A_1274 = tpu.memref_slice %arg6[%dma_start3A_1271, %dma_start3A_1272, %dma_start3A_1273] : memref<6x128x128xf32, #tpu.memory_space<vmem>> -> memref<1x128x128xf32, #tpu.memory_space<vmem>>
      %dma_start3A_1275 = tpu.memref_squeeze %dma_start3A_1274 : memref<1x128x128xf32, #tpu.memory_space<vmem>> -> memref<128x128xf32, #tpu.memory_space<vmem>>
      %dma_start3A_1276 = arith.constant 0 : i32
      %dma_start3A_1277 = tpu.memref_slice %arg5[%add3A_1270, %dma_start3A_1276] : memref<200x128xi32, #tpu.memory_space<vmem>> -> memref<1x128xi32, #tpu.memory_space<vmem>>
      %dma_start3A_1278 = tpu.memref_squeeze %dma_start3A_1277 : memref<1x128xi32, #tpu.memory_space<vmem>> -> memref<128xi32, #tpu.memory_space<vmem>>
      %dma_start3A_1279 = arith.constant 0 : i32
      %dma_start3A_1280 = arith.constant 0 : i32
      %dma_start3A_1281 = tpu.memref_slice %arg3[%dma_start3A_1279, %dma_start3A_1280] : memref<100000x128xf32, #tpu.memory_space<hbm>> -> memref<100000x128xf32, #tpu.memory_space<hbm>>
      tpu.enqueue_indirect_dma source(%dma_start3A_1281 : memref<100000x128xf32, #tpu.memory_space<hbm>>) target(%dma_start3A_1275 : memref<128x128xf32, #tpu.memory_space<vmem>>) offsets(%dma_start3A_1278 : memref<128xi32, #tpu.memory_space<vmem>>) semaphore(%arg10 : memref<!tpu.dma_semaphore, #tpu.memory_space<semaphore_mem>>)
    }
    %scan3A_387 = arith.constant 31 : i32
    %dma_wait3A_388 = arith.constant 192 : i32
    %dma_wait3A_389 = arith.constant 0 : i32
    %dma_wait3A_390 = arith.constant 0 : i32
    %dma_wait3A_391 = arith.constant 0 : i32
    %dma_wait3A_392 = tpu.memref_slice %arg6[%dma_wait3A_389, %dma_wait3A_390, %dma_wait3A_391] : memref<6x128x128xf32, #tpu.memory_space<vmem>> -> memref<1x128x128xf32, #tpu.memory_space<vmem>>
    %dma_wait3A_393 = tpu.memref_squeeze %dma_wait3A_392 : memref<1x128x128xf32, #tpu.memory_space<vmem>> -> memref<128x128xf32, #tpu.memory_space<vmem>>
    %dma_wait3A_394 = arith.constant 0 : i32
    %dma_wait3A_395 = tpu.memref_slice %arg5[%dma_wait3A_388, %dma_wait3A_394] : memref<200x128xi32, #tpu.memory_space<vmem>> -> memref<1x128xi32, #tpu.memory_space<vmem>>
    %dma_wait3A_396 = tpu.memref_squeeze %dma_wait3A_395 : memref<1x128xi32, #tpu.memory_space<vmem>> -> memref<128xi32, #tpu.memory_space<vmem>>
    %dma_wait3A_397 = arith.constant 0 : i32
    %dma_wait3A_398 = arith.constant 0 : i32
    %dma_wait3A_399 = tpu.memref_slice %arg3[%dma_wait3A_397, %dma_wait3A_398] : memref<100000x128xf32, #tpu.memory_space<hbm>> -> memref<100000x128xf32, #tpu.memory_space<hbm>>
    tpu.wait_indirect_dma semaphore(%arg7 : memref<!tpu.dma_semaphore, #tpu.memory_space<semaphore_mem>>) src(%dma_wait3A_399 : memref<100000x128xf32, #tpu.memory_space<hbm>>) dst(%dma_wait3A_393 : memref<128x128xf32, #tpu.memory_space<vmem>>)
    %add3A_400 = arith.constant 192 : i32
    %add3A_401 = arith.addi %mul3A_2, %add3A_400 : i32
    %dma_start3A_402 = arith.constant 0 : i32
    %dma_start3A_403 = arith.constant 0 : i32
    %dma_start3A_404 = arith.constant 0 : i32
    %dma_start3A_405 = tpu.memref_slice %arg6[%dma_start3A_402, %dma_start3A_403, %dma_start3A_404] : memref<6x128x128xf32, #tpu.memory_space<vmem>> -> memref<1x128x128xf32, #tpu.memory_space<vmem>>
    %dma_start3A_406 = tpu.memref_squeeze %dma_start3A_405 : memref<1x128x128xf32, #tpu.memory_space<vmem>> -> memref<128x128xf32, #tpu.memory_space<vmem>>
    %dma_start3A_407 = arith.constant 0 : i32
    %dma_start3A_408 = arith.constant 0 : i32
    %dma_start3A_409 = tpu.memref_slice %arg4[%add3A_401, %dma_start3A_407, %dma_start3A_408] : memref<6400x128x128xf32, #tpu.memory_space<hbm>> -> memref<1x128x128xf32, #tpu.memory_space<hbm>>
    %dma_start3A_410 = tpu.memref_squeeze %dma_start3A_409 : memref<1x128x128xf32, #tpu.memory_space<hbm>> -> memref<128x128xf32, #tpu.memory_space<hbm>>
    %dma_start3A_411 = arith.constant 0 : i32
    %dma_start3A_412 = arith.constant 0 : i32
    %dma_start3A_413 = tpu.memref_slice %arg4[%add3A_401, %dma_start3A_411, %dma_start3A_412] : memref<6400x128x128xf32, #tpu.memory_space<hbm>> -> memref<1x128x128xf32, #tpu.memory_space<hbm>>
    %dma_start3A_414 = tpu.memref_squeeze %dma_start3A_413 : memref<1x128x128xf32, #tpu.memory_space<hbm>> -> memref<128x128xf32, #tpu.memory_space<hbm>>
    %dma_start3A_415 = arith.constant 0 : i32
    %dma_start3A_416 = arith.constant 0 : i32
    %dma_start3A_417 = tpu.memref_slice %arg6[%dma_start3A_402, %dma_start3A_415, %dma_start3A_416] : memref<6x128x128xf32, #tpu.memory_space<vmem>> -> memref<1x128x128xf32, #tpu.memory_space<vmem>>
    %dma_start3A_418 = tpu.memref_squeeze %dma_start3A_417 : memref<1x128x128xf32, #tpu.memory_space<vmem>> -> memref<128x128xf32, #tpu.memory_space<vmem>>
    tpu.enqueue_dma source(%dma_start3A_418 : memref<128x128xf32, #tpu.memory_space<vmem>>) target(%dma_start3A_414 : memref<128x128xf32, #tpu.memory_space<hbm>>) target_semaphore(%arg13 : memref<!tpu.dma_semaphore, #tpu.memory_space<semaphore_mem>>)
    %add3A_419 = arith.constant 190 : i32
    %add3A_420 = arith.addi %mul3A_2, %add3A_419 : i32
    %dma_wait3A_421 = arith.constant 4 : i32
    %dma_wait3A_422 = arith.constant 0 : i32
    %dma_wait3A_423 = arith.constant 0 : i32
    %dma_wait3A_424 = tpu.memref_slice %arg6[%dma_wait3A_421, %dma_wait3A_422, %dma_wait3A_423] : memref<6x128x128xf32, #tpu.memory_space<vmem>> -> memref<1x128x128xf32, #tpu.memory_space<vmem>>
    %dma_wait3A_425 = tpu.memref_squeeze %dma_wait3A_424 : memref<1x128x128xf32, #tpu.memory_space<vmem>> -> memref<128x128xf32, #tpu.memory_space<vmem>>
    %dma_wait3A_426 = arith.constant 0 : i32
    %dma_wait3A_427 = arith.constant 0 : i32
    %dma_wait3A_428 = tpu.memref_slice %arg4[%add3A_420, %dma_wait3A_426, %dma_wait3A_427] : memref<6400x128x128xf32, #tpu.memory_space<hbm>> -> memref<1x128x128xf32, #tpu.memory_space<hbm>>
    %dma_wait3A_429 = tpu.memref_squeeze %dma_wait3A_428 : memref<1x128x128xf32, #tpu.memory_space<hbm>> -> memref<128x128xf32, #tpu.memory_space<hbm>>
    %dma_wait3A_430 = arith.constant 0 : i32
    %dma_wait3A_431 = arith.constant 0 : i32
    %dma_wait3A_432 = tpu.memref_slice %arg4[%add3A_420, %dma_wait3A_430, %dma_wait3A_431] : memref<6400x128x128xf32, #tpu.memory_space<hbm>> -> memref<1x128x128xf32, #tpu.memory_space<hbm>>
    %dma_wait3A_433 = tpu.memref_squeeze %dma_wait3A_432 : memref<1x128x128xf32, #tpu.memory_space<hbm>> -> memref<128x128xf32, #tpu.memory_space<hbm>>
    %dma_wait3A_434 = arith.constant 0 : i32
    %dma_wait3A_435 = arith.constant 0 : i32
    %dma_wait3A_436 = tpu.memref_slice %arg6[%dma_wait3A_421, %dma_wait3A_434, %dma_wait3A_435] : memref<6x128x128xf32, #tpu.memory_space<vmem>> -> memref<1x128x128xf32, #tpu.memory_space<vmem>>
    %dma_wait3A_437 = tpu.memref_squeeze %dma_wait3A_436 : memref<1x128x128xf32, #tpu.memory_space<vmem>> -> memref<128x128xf32, #tpu.memory_space<vmem>>
    tpu.wait_dma2 semaphore(%arg17 : memref<!tpu.dma_semaphore, #tpu.memory_space<semaphore_mem>>) src(%dma_wait3A_437 : memref<128x128xf32, #tpu.memory_space<vmem>>) dst(%dma_wait3A_433 : memref<128x128xf32, #tpu.memory_space<hbm>>)
    %dma_start3A_438 = arith.constant 196 : i32
    %dma_start3A_439 = arith.constant 4 : i32
    %dma_start3A_440 = arith.constant 0 : i32
    %dma_start3A_441 = arith.constant 0 : i32
    %dma_start3A_442 = tpu.memref_slice %arg6[%dma_start3A_439, %dma_start3A_440, %dma_start3A_441] : memref<6x128x128xf32, #tpu.memory_space<vmem>> -> memref<1x128x128xf32, #tpu.memory_space<vmem>>
    %dma_start3A_443 = tpu.memref_squeeze %dma_start3A_442 : memref<1x128x128xf32, #tpu.memory_space<vmem>> -> memref<128x128xf32, #tpu.memory_space<vmem>>
    %dma_start3A_444 = arith.constant 0 : i32
    %dma_start3A_445 = tpu.memref_slice %arg5[%dma_start3A_438, %dma_start3A_444] : memref<200x128xi32, #tpu.memory_space<vmem>> -> memref<1x128xi32, #tpu.memory_space<vmem>>
    %dma_start3A_446 = tpu.memref_squeeze %dma_start3A_445 : memref<1x128xi32, #tpu.memory_space<vmem>> -> memref<128xi32, #tpu.memory_space<vmem>>
    %dma_start3A_447 = arith.constant 0 : i32
    %dma_start3A_448 = arith.constant 0 : i32
    %dma_start3A_449 = tpu.memref_slice %arg3[%dma_start3A_447, %dma_start3A_448] : memref<100000x128xf32, #tpu.memory_space<hbm>> -> memref<100000x128xf32, #tpu.memory_space<hbm>>
    tpu.enqueue_indirect_dma source(%dma_start3A_449 : memref<100000x128xf32, #tpu.memory_space<hbm>>) target(%dma_start3A_443 : memref<128x128xf32, #tpu.memory_space<vmem>>) offsets(%dma_start3A_446 : memref<128xi32, #tpu.memory_space<vmem>>) semaphore(%arg11 : memref<!tpu.dma_semaphore, #tpu.memory_space<semaphore_mem>>)
    %dma_wait3A_450 = arith.constant 193 : i32
    %dma_wait3A_451 = arith.constant 1 : i32
    %dma_wait3A_452 = arith.constant 0 : i32
    %dma_wait3A_453 = arith.constant 0 : i32
    %dma_wait3A_454 = tpu.memref_slice %arg6[%dma_wait3A_451, %dma_wait3A_452, %dma_wait3A_453] : memref<6x128x128xf32, #tpu.memory_space<vmem>> -> memref<1x128x128xf32, #tpu.memory_space<vmem>>
    %dma_wait3A_455 = tpu.memref_squeeze %dma_wait3A_454 : memref<1x128x128xf32, #tpu.memory_space<vmem>> -> memref<128x128xf32, #tpu.memory_space<vmem>>
    %dma_wait3A_456 = arith.constant 0 : i32
    %dma_wait3A_457 = tpu.memref_slice %arg5[%dma_wait3A_450, %dma_wait3A_456] : memref<200x128xi32, #tpu.memory_space<vmem>> -> memref<1x128xi32, #tpu.memory_space<vmem>>
    %dma_wait3A_458 = tpu.memref_squeeze %dma_wait3A_457 : memref<1x128xi32, #tpu.memory_space<vmem>> -> memref<128xi32, #tpu.memory_space<vmem>>
    %dma_wait3A_459 = arith.constant 0 : i32
    %dma_wait3A_460 = arith.constant 0 : i32
    %dma_wait3A_461 = tpu.memref_slice %arg3[%dma_wait3A_459, %dma_wait3A_460] : memref<100000x128xf32, #tpu.memory_space<hbm>> -> memref<100000x128xf32, #tpu.memory_space<hbm>>
    tpu.wait_indirect_dma semaphore(%arg8 : memref<!tpu.dma_semaphore, #tpu.memory_space<semaphore_mem>>) src(%dma_wait3A_461 : memref<100000x128xf32, #tpu.memory_space<hbm>>) dst(%dma_wait3A_455 : memref<128x128xf32, #tpu.memory_space<vmem>>)
    %add3A_462 = arith.constant 193 : i32
    %add3A_463 = arith.addi %mul3A_2, %add3A_462 : i32
    %dma_start3A_464 = arith.constant 1 : i32
    %dma_start3A_465 = arith.constant 0 : i32
    %dma_start3A_466 = arith.constant 0 : i32
    %dma_start3A_467 = tpu.memref_slice %arg6[%dma_start3A_464, %dma_start3A_465, %dma_start3A_466] : memref<6x128x128xf32, #tpu.memory_space<vmem>> -> memref<1x128x128xf32, #tpu.memory_space<vmem>>
    %dma_start3A_468 = tpu.memref_squeeze %dma_start3A_467 : memref<1x128x128xf32, #tpu.memory_space<vmem>> -> memref<128x128xf32, #tpu.memory_space<vmem>>
    %dma_start3A_469 = arith.constant 0 : i32
    %dma_start3A_470 = arith.constant 0 : i32
    %dma_start3A_471 = tpu.memref_slice %arg4[%add3A_463, %dma_start3A_469, %dma_start3A_470] : memref<6400x128x128xf32, #tpu.memory_space<hbm>> -> memref<1x128x128xf32, #tpu.memory_space<hbm>>
    %dma_start3A_472 = tpu.memref_squeeze %dma_start3A_471 : memref<1x128x128xf32, #tpu.memory_space<hbm>> -> memref<128x128xf32, #tpu.memory_space<hbm>>
    %dma_start3A_473 = arith.constant 0 : i32
    %dma_start3A_474 = arith.constant 0 : i32
    %dma_start3A_475 = tpu.memref_slice %arg4[%add3A_463, %dma_start3A_473, %dma_start3A_474] : memref<6400x128x128xf32, #tpu.memory_space<hbm>> -> memref<1x128x128xf32, #tpu.memory_space<hbm>>
    %dma_start3A_476 = tpu.memref_squeeze %dma_start3A_475 : memref<1x128x128xf32, #tpu.memory_space<hbm>> -> memref<128x128xf32, #tpu.memory_space<hbm>>
    %dma_start3A_477 = arith.constant 0 : i32
    %dma_start3A_478 = arith.constant 0 : i32
    %dma_start3A_479 = tpu.memref_slice %arg6[%dma_start3A_464, %dma_start3A_477, %dma_start3A_478] : memref<6x128x128xf32, #tpu.memory_space<vmem>> -> memref<1x128x128xf32, #tpu.memory_space<vmem>>
    %dma_start3A_480 = tpu.memref_squeeze %dma_start3A_479 : memref<1x128x128xf32, #tpu.memory_space<vmem>> -> memref<128x128xf32, #tpu.memory_space<vmem>>
    tpu.enqueue_dma source(%dma_start3A_480 : memref<128x128xf32, #tpu.memory_space<vmem>>) target(%dma_start3A_476 : memref<128x128xf32, #tpu.memory_space<hbm>>) target_semaphore(%arg14 : memref<!tpu.dma_semaphore, #tpu.memory_space<semaphore_mem>>)
    %add3A_481 = arith.constant 191 : i32
    %add3A_482 = arith.addi %mul3A_2, %add3A_481 : i32
    %dma_wait3A_483 = arith.constant 5 : i32
    %dma_wait3A_484 = arith.constant 0 : i32
    %dma_wait3A_485 = arith.constant 0 : i32
    %dma_wait3A_486 = tpu.memref_slice %arg6[%dma_wait3A_483, %dma_wait3A_484, %dma_wait3A_485] : memref<6x128x128xf32, #tpu.memory_space<vmem>> -> memref<1x128x128xf32, #tpu.memory_space<vmem>>
    %dma_wait3A_487 = tpu.memref_squeeze %dma_wait3A_486 : memref<1x128x128xf32, #tpu.memory_space<vmem>> -> memref<128x128xf32, #tpu.memory_space<vmem>>
    %dma_wait3A_488 = arith.constant 0 : i32
    %dma_wait3A_489 = arith.constant 0 : i32
    %dma_wait3A_490 = tpu.memref_slice %arg4[%add3A_482, %dma_wait3A_488, %dma_wait3A_489] : memref<6400x128x128xf32, #tpu.memory_space<hbm>> -> memref<1x128x128xf32, #tpu.memory_space<hbm>>
    %dma_wait3A_491 = tpu.memref_squeeze %dma_wait3A_490 : memref<1x128x128xf32, #tpu.memory_space<hbm>> -> memref<128x128xf32, #tpu.memory_space<hbm>>
    %dma_wait3A_492 = arith.constant 0 : i32
    %dma_wait3A_493 = arith.constant 0 : i32
    %dma_wait3A_494 = tpu.memref_slice %arg4[%add3A_482, %dma_wait3A_492, %dma_wait3A_493] : memref<6400x128x128xf32, #tpu.memory_space<hbm>> -> memref<1x128x128xf32, #tpu.memory_space<hbm>>
    %dma_wait3A_495 = tpu.memref_squeeze %dma_wait3A_494 : memref<1x128x128xf32, #tpu.memory_space<hbm>> -> memref<128x128xf32, #tpu.memory_space<hbm>>
    %dma_wait3A_496 = arith.constant 0 : i32
    %dma_wait3A_497 = arith.constant 0 : i32
    %dma_wait3A_498 = tpu.memref_slice %arg6[%dma_wait3A_483, %dma_wait3A_496, %dma_wait3A_497] : memref<6x128x128xf32, #tpu.memory_space<vmem>> -> memref<1x128x128xf32, #tpu.memory_space<vmem>>
    %dma_wait3A_499 = tpu.memref_squeeze %dma_wait3A_498 : memref<1x128x128xf32, #tpu.memory_space<vmem>> -> memref<128x128xf32, #tpu.memory_space<vmem>>
    tpu.wait_dma2 semaphore(%arg18 : memref<!tpu.dma_semaphore, #tpu.memory_space<semaphore_mem>>) src(%dma_wait3A_499 : memref<128x128xf32, #tpu.memory_space<vmem>>) dst(%dma_wait3A_495 : memref<128x128xf32, #tpu.memory_space<hbm>>)
    %dma_start3A_500 = arith.constant 197 : i32
    %dma_start3A_501 = arith.constant 5 : i32
    %dma_start3A_502 = arith.constant 0 : i32
    %dma_start3A_503 = arith.constant 0 : i32
    %dma_start3A_504 = tpu.memref_slice %arg6[%dma_start3A_501, %dma_start3A_502, %dma_start3A_503] : memref<6x128x128xf32, #tpu.memory_space<vmem>> -> memref<1x128x128xf32, #tpu.memory_space<vmem>>
    %dma_start3A_505 = tpu.memref_squeeze %dma_start3A_504 : memref<1x128x128xf32, #tpu.memory_space<vmem>> -> memref<128x128xf32, #tpu.memory_space<vmem>>
    %dma_start3A_506 = arith.constant 0 : i32
    %dma_start3A_507 = tpu.memref_slice %arg5[%dma_start3A_500, %dma_start3A_506] : memref<200x128xi32, #tpu.memory_space<vmem>> -> memref<1x128xi32, #tpu.memory_space<vmem>>
    %dma_start3A_508 = tpu.memref_squeeze %dma_start3A_507 : memref<1x128xi32, #tpu.memory_space<vmem>> -> memref<128xi32, #tpu.memory_space<vmem>>
    %dma_start3A_509 = arith.constant 0 : i32
    %dma_start3A_510 = arith.constant 0 : i32
    %dma_start3A_511 = tpu.memref_slice %arg3[%dma_start3A_509, %dma_start3A_510] : memref<100000x128xf32, #tpu.memory_space<hbm>> -> memref<100000x128xf32, #tpu.memory_space<hbm>>
    tpu.enqueue_indirect_dma source(%dma_start3A_511 : memref<100000x128xf32, #tpu.memory_space<hbm>>) target(%dma_start3A_505 : memref<128x128xf32, #tpu.memory_space<vmem>>) offsets(%dma_start3A_508 : memref<128xi32, #tpu.memory_space<vmem>>) semaphore(%arg12 : memref<!tpu.dma_semaphore, #tpu.memory_space<semaphore_mem>>)
    %dma_wait3A_512 = arith.constant 194 : i32
    %dma_wait3A_513 = arith.constant 2 : i32
    %dma_wait3A_514 = arith.constant 0 : i32
    %dma_wait3A_515 = arith.constant 0 : i32
    %dma_wait3A_516 = tpu.memref_slice %arg6[%dma_wait3A_513, %dma_wait3A_514, %dma_wait3A_515] : memref<6x128x128xf32, #tpu.memory_space<vmem>> -> memref<1x128x128xf32, #tpu.memory_space<vmem>>
    %dma_wait3A_517 = tpu.memref_squeeze %dma_wait3A_516 : memref<1x128x128xf32, #tpu.memory_space<vmem>> -> memref<128x128xf32, #tpu.memory_space<vmem>>
    %dma_wait3A_518 = arith.constant 0 : i32
    %dma_wait3A_519 = tpu.memref_slice %arg5[%dma_wait3A_512, %dma_wait3A_518] : memref<200x128xi32, #tpu.memory_space<vmem>> -> memref<1x128xi32, #tpu.memory_space<vmem>>
    %dma_wait3A_520 = tpu.memref_squeeze %dma_wait3A_519 : memref<1x128xi32, #tpu.memory_space<vmem>> -> memref<128xi32, #tpu.memory_space<vmem>>
    %dma_wait3A_521 = arith.constant 0 : i32
    %dma_wait3A_522 = arith.constant 0 : i32
    %dma_wait3A_523 = tpu.memref_slice %arg3[%dma_wait3A_521, %dma_wait3A_522] : memref<100000x128xf32, #tpu.memory_space<hbm>> -> memref<100000x128xf32, #tpu.memory_space<hbm>>
    tpu.wait_indirect_dma semaphore(%arg9 : memref<!tpu.dma_semaphore, #tpu.memory_space<semaphore_mem>>) src(%dma_wait3A_523 : memref<100000x128xf32, #tpu.memory_space<hbm>>) dst(%dma_wait3A_517 : memref<128x128xf32, #tpu.memory_space<vmem>>)
    %add3A_524 = arith.constant 194 : i32
    %add3A_525 = arith.addi %mul3A_2, %add3A_524 : i32
    %dma_start3A_526 = arith.constant 2 : i32
    %dma_start3A_527 = arith.constant 0 : i32
    %dma_start3A_528 = arith.constant 0 : i32
    %dma_start3A_529 = tpu.memref_slice %arg6[%dma_start3A_526, %dma_start3A_527, %dma_start3A_528] : memref<6x128x128xf32, #tpu.memory_space<vmem>> -> memref<1x128x128xf32, #tpu.memory_space<vmem>>
    %dma_start3A_530 = tpu.memref_squeeze %dma_start3A_529 : memref<1x128x128xf32, #tpu.memory_space<vmem>> -> memref<128x128xf32, #tpu.memory_space<vmem>>
    %dma_start3A_531 = arith.constant 0 : i32
    %dma_start3A_532 = arith.constant 0 : i32
    %dma_start3A_533 = tpu.memref_slice %arg4[%add3A_525, %dma_start3A_531, %dma_start3A_532] : memref<6400x128x128xf32, #tpu.memory_space<hbm>> -> memref<1x128x128xf32, #tpu.memory_space<hbm>>
    %dma_start3A_534 = tpu.memref_squeeze %dma_start3A_533 : memref<1x128x128xf32, #tpu.memory_space<hbm>> -> memref<128x128xf32, #tpu.memory_space<hbm>>
    %dma_start3A_535 = arith.constant 0 : i32
    %dma_start3A_536 = arith.constant 0 : i32
    %dma_start3A_537 = tpu.memref_slice %arg4[%add3A_525, %dma_start3A_535, %dma_start3A_536] : memref<6400x128x128xf32, #tpu.memory_space<hbm>> -> memref<1x128x128xf32, #tpu.memory_space<hbm>>
    %dma_start3A_538 = tpu.memref_squeeze %dma_start3A_537 : memref<1x128x128xf32, #tpu.memory_space<hbm>> -> memref<128x128xf32, #tpu.memory_space<hbm>>
    %dma_start3A_539 = arith.constant 0 : i32
    %dma_start3A_540 = arith.constant 0 : i32
    %dma_start3A_541 = tpu.memref_slice %arg6[%dma_start3A_526, %dma_start3A_539, %dma_start3A_540] : memref<6x128x128xf32, #tpu.memory_space<vmem>> -> memref<1x128x128xf32, #tpu.memory_space<vmem>>
    %dma_start3A_542 = tpu.memref_squeeze %dma_start3A_541 : memref<1x128x128xf32, #tpu.memory_space<vmem>> -> memref<128x128xf32, #tpu.memory_space<vmem>>
    tpu.enqueue_dma source(%dma_start3A_542 : memref<128x128xf32, #tpu.memory_space<vmem>>) target(%dma_start3A_538 : memref<128x128xf32, #tpu.memory_space<hbm>>) target_semaphore(%arg15 : memref<!tpu.dma_semaphore, #tpu.memory_space<semaphore_mem>>)
    %add3A_543 = arith.constant 192 : i32
    %add3A_544 = arith.addi %mul3A_2, %add3A_543 : i32
    %dma_wait3A_545 = arith.constant 0 : i32
    %dma_wait3A_546 = arith.constant 0 : i32
    %dma_wait3A_547 = arith.constant 0 : i32
    %dma_wait3A_548 = tpu.memref_slice %arg6[%dma_wait3A_545, %dma_wait3A_546, %dma_wait3A_547] : memref<6x128x128xf32, #tpu.memory_space<vmem>> -> memref<1x128x128xf32, #tpu.memory_space<vmem>>
    %dma_wait3A_549 = tpu.memref_squeeze %dma_wait3A_548 : memref<1x128x128xf32, #tpu.memory_space<vmem>> -> memref<128x128xf32, #tpu.memory_space<vmem>>
    %dma_wait3A_550 = arith.constant 0 : i32
    %dma_wait3A_551 = arith.constant 0 : i32
    %dma_wait3A_552 = tpu.memref_slice %arg4[%add3A_544, %dma_wait3A_550, %dma_wait3A_551] : memref<6400x128x128xf32, #tpu.memory_space<hbm>> -> memref<1x128x128xf32, #tpu.memory_space<hbm>>
    %dma_wait3A_553 = tpu.memref_squeeze %dma_wait3A_552 : memref<1x128x128xf32, #tpu.memory_space<hbm>> -> memref<128x128xf32, #tpu.memory_space<hbm>>
    %dma_wait3A_554 = arith.constant 0 : i32
    %dma_wait3A_555 = arith.constant 0 : i32
    %dma_wait3A_556 = tpu.memref_slice %arg4[%add3A_544, %dma_wait3A_554, %dma_wait3A_555] : memref<6400x128x128xf32, #tpu.memory_space<hbm>> -> memref<1x128x128xf32, #tpu.memory_space<hbm>>
    %dma_wait3A_557 = tpu.memref_squeeze %dma_wait3A_556 : memref<1x128x128xf32, #tpu.memory_space<hbm>> -> memref<128x128xf32, #tpu.memory_space<hbm>>
    %dma_wait3A_558 = arith.constant 0 : i32
    %dma_wait3A_559 = arith.constant 0 : i32
    %dma_wait3A_560 = tpu.memref_slice %arg6[%dma_wait3A_545, %dma_wait3A_558, %dma_wait3A_559] : memref<6x128x128xf32, #tpu.memory_space<vmem>> -> memref<1x128x128xf32, #tpu.memory_space<vmem>>
    %dma_wait3A_561 = tpu.memref_squeeze %dma_wait3A_560 : memref<1x128x128xf32, #tpu.memory_space<vmem>> -> memref<128x128xf32, #tpu.memory_space<vmem>>
    tpu.wait_dma2 semaphore(%arg13 : memref<!tpu.dma_semaphore, #tpu.memory_space<semaphore_mem>>) src(%dma_wait3A_561 : memref<128x128xf32, #tpu.memory_space<vmem>>) dst(%dma_wait3A_557 : memref<128x128xf32, #tpu.memory_space<hbm>>)
    %dma_start3A_562 = arith.constant 198 : i32
    %dma_start3A_563 = arith.constant 0 : i32
    %dma_start3A_564 = arith.constant 0 : i32
    %dma_start3A_565 = arith.constant 0 : i32
    %dma_start3A_566 = tpu.memref_slice %arg6[%dma_start3A_563, %dma_start3A_564, %dma_start3A_565] : memref<6x128x128xf32, #tpu.memory_space<vmem>> -> memref<1x128x128xf32, #tpu.memory_space<vmem>>
    %dma_start3A_567 = tpu.memref_squeeze %dma_start3A_566 : memref<1x128x128xf32, #tpu.memory_space<vmem>> -> memref<128x128xf32, #tpu.memory_space<vmem>>
    %dma_start3A_568 = arith.constant 0 : i32
    %dma_start3A_569 = tpu.memref_slice %arg5[%dma_start3A_562, %dma_start3A_568] : memref<200x128xi32, #tpu.memory_space<vmem>> -> memref<1x128xi32, #tpu.memory_space<vmem>>
    %dma_start3A_570 = tpu.memref_squeeze %dma_start3A_569 : memref<1x128xi32, #tpu.memory_space<vmem>> -> memref<128xi32, #tpu.memory_space<vmem>>
    %dma_start3A_571 = arith.constant 0 : i32
    %dma_start3A_572 = arith.constant 0 : i32
    %dma_start3A_573 = tpu.memref_slice %arg3[%dma_start3A_571, %dma_start3A_572] : memref<100000x128xf32, #tpu.memory_space<hbm>> -> memref<100000x128xf32, #tpu.memory_space<hbm>>
    tpu.enqueue_indirect_dma source(%dma_start3A_573 : memref<100000x128xf32, #tpu.memory_space<hbm>>) target(%dma_start3A_567 : memref<128x128xf32, #tpu.memory_space<vmem>>) offsets(%dma_start3A_570 : memref<128xi32, #tpu.memory_space<vmem>>) semaphore(%arg7 : memref<!tpu.dma_semaphore, #tpu.memory_space<semaphore_mem>>)
    %dma_wait3A_574 = arith.constant 195 : i32
    %dma_wait3A_575 = arith.constant 3 : i32
    %dma_wait3A_576 = arith.constant 0 : i32
    %dma_wait3A_577 = arith.constant 0 : i32
    %dma_wait3A_578 = tpu.memref_slice %arg6[%dma_wait3A_575, %dma_wait3A_576, %dma_wait3A_577] : memref<6x128x128xf32, #tpu.memory_space<vmem>> -> memref<1x128x128xf32, #tpu.memory_space<vmem>>
    %dma_wait3A_579 = tpu.memref_squeeze %dma_wait3A_578 : memref<1x128x128xf32, #tpu.memory_space<vmem>> -> memref<128x128xf32, #tpu.memory_space<vmem>>
    %dma_wait3A_580 = arith.constant 0 : i32
    %dma_wait3A_581 = tpu.memref_slice %arg5[%dma_wait3A_574, %dma_wait3A_580] : memref<200x128xi32, #tpu.memory_space<vmem>> -> memref<1x128xi32, #tpu.memory_space<vmem>>
    %dma_wait3A_582 = tpu.memref_squeeze %dma_wait3A_581 : memref<1x128xi32, #tpu.memory_space<vmem>> -> memref<128xi32, #tpu.memory_space<vmem>>
    %dma_wait3A_583 = arith.constant 0 : i32
    %dma_wait3A_584 = arith.constant 0 : i32
    %dma_wait3A_585 = tpu.memref_slice %arg3[%dma_wait3A_583, %dma_wait3A_584] : memref<100000x128xf32, #tpu.memory_space<hbm>> -> memref<100000x128xf32, #tpu.memory_space<hbm>>
    tpu.wait_indirect_dma semaphore(%arg10 : memref<!tpu.dma_semaphore, #tpu.memory_space<semaphore_mem>>) src(%dma_wait3A_585 : memref<100000x128xf32, #tpu.memory_space<hbm>>) dst(%dma_wait3A_579 : memref<128x128xf32, #tpu.memory_space<vmem>>)
    %add3A_586 = arith.constant 195 : i32
    %add3A_587 = arith.addi %mul3A_2, %add3A_586 : i32
    %dma_start3A_588 = arith.constant 3 : i32
    %dma_start3A_589 = arith.constant 0 : i32
    %dma_start3A_590 = arith.constant 0 : i32
    %dma_start3A_591 = tpu.memref_slice %arg6[%dma_start3A_588, %dma_start3A_589, %dma_start3A_590] : memref<6x128x128xf32, #tpu.memory_space<vmem>> -> memref<1x128x128xf32, #tpu.memory_space<vmem>>
    %dma_start3A_592 = tpu.memref_squeeze %dma_start3A_591 : memref<1x128x128xf32, #tpu.memory_space<vmem>> -> memref<128x128xf32, #tpu.memory_space<vmem>>
    %dma_start3A_593 = arith.constant 0 : i32
    %dma_start3A_594 = arith.constant 0 : i32
    %dma_start3A_595 = tpu.memref_slice %arg4[%add3A_587, %dma_start3A_593, %dma_start3A_594] : memref<6400x128x128xf32, #tpu.memory_space<hbm>> -> memref<1x128x128xf32, #tpu.memory_space<hbm>>
    %dma_start3A_596 = tpu.memref_squeeze %dma_start3A_595 : memref<1x128x128xf32, #tpu.memory_space<hbm>> -> memref<128x128xf32, #tpu.memory_space<hbm>>
    %dma_start3A_597 = arith.constant 0 : i32
    %dma_start3A_598 = arith.constant 0 : i32
    %dma_start3A_599 = tpu.memref_slice %arg4[%add3A_587, %dma_start3A_597, %dma_start3A_598] : memref<6400x128x128xf32, #tpu.memory_space<hbm>> -> memref<1x128x128xf32, #tpu.memory_space<hbm>>
    %dma_start3A_600 = tpu.memref_squeeze %dma_start3A_599 : memref<1x128x128xf32, #tpu.memory_space<hbm>> -> memref<128x128xf32, #tpu.memory_space<hbm>>
    %dma_start3A_601 = arith.constant 0 : i32
    %dma_start3A_602 = arith.constant 0 : i32
    %dma_start3A_603 = tpu.memref_slice %arg6[%dma_start3A_588, %dma_start3A_601, %dma_start3A_602] : memref<6x128x128xf32, #tpu.memory_space<vmem>> -> memref<1x128x128xf32, #tpu.memory_space<vmem>>
    %dma_start3A_604 = tpu.memref_squeeze %dma_start3A_603 : memref<1x128x128xf32, #tpu.memory_space<vmem>> -> memref<128x128xf32, #tpu.memory_space<vmem>>
    tpu.enqueue_dma source(%dma_start3A_604 : memref<128x128xf32, #tpu.memory_space<vmem>>) target(%dma_start3A_600 : memref<128x128xf32, #tpu.memory_space<hbm>>) target_semaphore(%arg16 : memref<!tpu.dma_semaphore, #tpu.memory_space<semaphore_mem>>)
    %add3A_605 = arith.constant 193 : i32
    %add3A_606 = arith.addi %mul3A_2, %add3A_605 : i32
    %dma_wait3A_607 = arith.constant 1 : i32
    %dma_wait3A_608 = arith.constant 0 : i32
    %dma_wait3A_609 = arith.constant 0 : i32
    %dma_wait3A_610 = tpu.memref_slice %arg6[%dma_wait3A_607, %dma_wait3A_608, %dma_wait3A_609] : memref<6x128x128xf32, #tpu.memory_space<vmem>> -> memref<1x128x128xf32, #tpu.memory_space<vmem>>
    %dma_wait3A_611 = tpu.memref_squeeze %dma_wait3A_610 : memref<1x128x128xf32, #tpu.memory_space<vmem>> -> memref<128x128xf32, #tpu.memory_space<vmem>>
    %dma_wait3A_612 = arith.constant 0 : i32
    %dma_wait3A_613 = arith.constant 0 : i32
    %dma_wait3A_614 = tpu.memref_slice %arg4[%add3A_606, %dma_wait3A_612, %dma_wait3A_613] : memref<6400x128x128xf32, #tpu.memory_space<hbm>> -> memref<1x128x128xf32, #tpu.memory_space<hbm>>
    %dma_wait3A_615 = tpu.memref_squeeze %dma_wait3A_614 : memref<1x128x128xf32, #tpu.memory_space<hbm>> -> memref<128x128xf32, #tpu.memory_space<hbm>>
    %dma_wait3A_616 = arith.constant 0 : i32
    %dma_wait3A_617 = arith.constant 0 : i32
    %dma_wait3A_618 = tpu.memref_slice %arg4[%add3A_606, %dma_wait3A_616, %dma_wait3A_617] : memref<6400x128x128xf32, #tpu.memory_space<hbm>> -> memref<1x128x128xf32, #tpu.memory_space<hbm>>
    %dma_wait3A_619 = tpu.memref_squeeze %dma_wait3A_618 : memref<1x128x128xf32, #tpu.memory_space<hbm>> -> memref<128x128xf32, #tpu.memory_space<hbm>>
    %dma_wait3A_620 = arith.constant 0 : i32
    %dma_wait3A_621 = arith.constant 0 : i32
    %dma_wait3A_622 = tpu.memref_slice %arg6[%dma_wait3A_607, %dma_wait3A_620, %dma_wait3A_621] : memref<6x128x128xf32, #tpu.memory_space<vmem>> -> memref<1x128x128xf32, #tpu.memory_space<vmem>>
    %dma_wait3A_623 = tpu.memref_squeeze %dma_wait3A_622 : memref<1x128x128xf32, #tpu.memory_space<vmem>> -> memref<128x128xf32, #tpu.memory_space<vmem>>
    tpu.wait_dma2 semaphore(%arg14 : memref<!tpu.dma_semaphore, #tpu.memory_space<semaphore_mem>>) src(%dma_wait3A_623 : memref<128x128xf32, #tpu.memory_space<vmem>>) dst(%dma_wait3A_619 : memref<128x128xf32, #tpu.memory_space<hbm>>)
    %dma_start3A_624 = arith.constant 199 : i32
    %dma_start3A_625 = arith.constant 1 : i32
    %dma_start3A_626 = arith.constant 0 : i32
    %dma_start3A_627 = arith.constant 0 : i32
    %dma_start3A_628 = tpu.memref_slice %arg6[%dma_start3A_625, %dma_start3A_626, %dma_start3A_627] : memref<6x128x128xf32, #tpu.memory_space<vmem>> -> memref<1x128x128xf32, #tpu.memory_space<vmem>>
    %dma_start3A_629 = tpu.memref_squeeze %dma_start3A_628 : memref<1x128x128xf32, #tpu.memory_space<vmem>> -> memref<128x128xf32, #tpu.memory_space<vmem>>
    %dma_start3A_630 = arith.constant 0 : i32
    %dma_start3A_631 = tpu.memref_slice %arg5[%dma_start3A_624, %dma_start3A_630] : memref<200x128xi32, #tpu.memory_space<vmem>> -> memref<1x128xi32, #tpu.memory_space<vmem>>
    %dma_start3A_632 = tpu.memref_squeeze %dma_start3A_631 : memref<1x128xi32, #tpu.memory_space<vmem>> -> memref<128xi32, #tpu.memory_space<vmem>>
    %dma_start3A_633 = arith.constant 0 : i32
    %dma_start3A_634 = arith.constant 0 : i32
    %dma_start3A_635 = tpu.memref_slice %arg3[%dma_start3A_633, %dma_start3A_634] : memref<100000x128xf32, #tpu.memory_space<hbm>> -> memref<100000x128xf32, #tpu.memory_space<hbm>>
    tpu.enqueue_indirect_dma source(%dma_start3A_635 : memref<100000x128xf32, #tpu.memory_space<hbm>>) target(%dma_start3A_629 : memref<128x128xf32, #tpu.memory_space<vmem>>) offsets(%dma_start3A_632 : memref<128xi32, #tpu.memory_space<vmem>>) semaphore(%arg8 : memref<!tpu.dma_semaphore, #tpu.memory_space<semaphore_mem>>)
    %dma_wait3A_636 = arith.constant 196 : i32
    %dma_wait3A_637 = arith.constant 4 : i32
    %dma_wait3A_638 = arith.constant 0 : i32
    %dma_wait3A_639 = arith.constant 0 : i32
    %dma_wait3A_640 = tpu.memref_slice %arg6[%dma_wait3A_637, %dma_wait3A_638, %dma_wait3A_639] : memref<6x128x128xf32, #tpu.memory_space<vmem>> -> memref<1x128x128xf32, #tpu.memory_space<vmem>>
    %dma_wait3A_641 = tpu.memref_squeeze %dma_wait3A_640 : memref<1x128x128xf32, #tpu.memory_space<vmem>> -> memref<128x128xf32, #tpu.memory_space<vmem>>
    %dma_wait3A_642 = arith.constant 0 : i32
    %dma_wait3A_643 = tpu.memref_slice %arg5[%dma_wait3A_636, %dma_wait3A_642] : memref<200x128xi32, #tpu.memory_space<vmem>> -> memref<1x128xi32, #tpu.memory_space<vmem>>
    %dma_wait3A_644 = tpu.memref_squeeze %dma_wait3A_643 : memref<1x128xi32, #tpu.memory_space<vmem>> -> memref<128xi32, #tpu.memory_space<vmem>>
    %dma_wait3A_645 = arith.constant 0 : i32
    %dma_wait3A_646 = arith.constant 0 : i32
    %dma_wait3A_647 = tpu.memref_slice %arg3[%dma_wait3A_645, %dma_wait3A_646] : memref<100000x128xf32, #tpu.memory_space<hbm>> -> memref<100000x128xf32, #tpu.memory_space<hbm>>
    tpu.wait_indirect_dma semaphore(%arg11 : memref<!tpu.dma_semaphore, #tpu.memory_space<semaphore_mem>>) src(%dma_wait3A_647 : memref<100000x128xf32, #tpu.memory_space<hbm>>) dst(%dma_wait3A_641 : memref<128x128xf32, #tpu.memory_space<vmem>>)
    %add3A_648 = arith.constant 196 : i32
    %add3A_649 = arith.addi %mul3A_2, %add3A_648 : i32
    %dma_start3A_650 = arith.constant 4 : i32
    %dma_start3A_651 = arith.constant 0 : i32
    %dma_start3A_652 = arith.constant 0 : i32
    %dma_start3A_653 = tpu.memref_slice %arg6[%dma_start3A_650, %dma_start3A_651, %dma_start3A_652] : memref<6x128x128xf32, #tpu.memory_space<vmem>> -> memref<1x128x128xf32, #tpu.memory_space<vmem>>
    %dma_start3A_654 = tpu.memref_squeeze %dma_start3A_653 : memref<1x128x128xf32, #tpu.memory_space<vmem>> -> memref<128x128xf32, #tpu.memory_space<vmem>>
    %dma_start3A_655 = arith.constant 0 : i32
    %dma_start3A_656 = arith.constant 0 : i32
    %dma_start3A_657 = tpu.memref_slice %arg4[%add3A_649, %dma_start3A_655, %dma_start3A_656] : memref<6400x128x128xf32, #tpu.memory_space<hbm>> -> memref<1x128x128xf32, #tpu.memory_space<hbm>>
    %dma_start3A_658 = tpu.memref_squeeze %dma_start3A_657 : memref<1x128x128xf32, #tpu.memory_space<hbm>> -> memref<128x128xf32, #tpu.memory_space<hbm>>
    %dma_start3A_659 = arith.constant 0 : i32
    %dma_start3A_660 = arith.constant 0 : i32
    %dma_start3A_661 = tpu.memref_slice %arg4[%add3A_649, %dma_start3A_659, %dma_start3A_660] : memref<6400x128x128xf32, #tpu.memory_space<hbm>> -> memref<1x128x128xf32, #tpu.memory_space<hbm>>
    %dma_start3A_662 = tpu.memref_squeeze %dma_start3A_661 : memref<1x128x128xf32, #tpu.memory_space<hbm>> -> memref<128x128xf32, #tpu.memory_space<hbm>>
    %dma_start3A_663 = arith.constant 0 : i32
    %dma_start3A_664 = arith.constant 0 : i32
    %dma_start3A_665 = tpu.memref_slice %arg6[%dma_start3A_650, %dma_start3A_663, %dma_start3A_664] : memref<6x128x128xf32, #tpu.memory_space<vmem>> -> memref<1x128x128xf32, #tpu.memory_space<vmem>>
    %dma_start3A_666 = tpu.memref_squeeze %dma_start3A_665 : memref<1x128x128xf32, #tpu.memory_space<vmem>> -> memref<128x128xf32, #tpu.memory_space<vmem>>
    tpu.enqueue_dma source(%dma_start3A_666 : memref<128x128xf32, #tpu.memory_space<vmem>>) target(%dma_start3A_662 : memref<128x128xf32, #tpu.memory_space<hbm>>) target_semaphore(%arg17 : memref<!tpu.dma_semaphore, #tpu.memory_space<semaphore_mem>>)
    %dma_wait3A_667 = arith.constant 197 : i32
    %dma_wait3A_668 = arith.constant 5 : i32
    %dma_wait3A_669 = arith.constant 0 : i32
    %dma_wait3A_670 = arith.constant 0 : i32
    %dma_wait3A_671 = tpu.memref_slice %arg6[%dma_wait3A_668, %dma_wait3A_669, %dma_wait3A_670] : memref<6x128x128xf32, #tpu.memory_space<vmem>> -> memref<1x128x128xf32, #tpu.memory_space<vmem>>
    %dma_wait3A_672 = tpu.memref_squeeze %dma_wait3A_671 : memref<1x128x128xf32, #tpu.memory_space<vmem>> -> memref<128x128xf32, #tpu.memory_space<vmem>>
    %dma_wait3A_673 = arith.constant 0 : i32
    %dma_wait3A_674 = tpu.memref_slice %arg5[%dma_wait3A_667, %dma_wait3A_673] : memref<200x128xi32, #tpu.memory_space<vmem>> -> memref<1x128xi32, #tpu.memory_space<vmem>>
    %dma_wait3A_675 = tpu.memref_squeeze %dma_wait3A_674 : memref<1x128xi32, #tpu.memory_space<vmem>> -> memref<128xi32, #tpu.memory_space<vmem>>
    %dma_wait3A_676 = arith.constant 0 : i32
    %dma_wait3A_677 = arith.constant 0 : i32
    %dma_wait3A_678 = tpu.memref_slice %arg3[%dma_wait3A_676, %dma_wait3A_677] : memref<100000x128xf32, #tpu.memory_space<hbm>> -> memref<100000x128xf32, #tpu.memory_space<hbm>>
    tpu.wait_indirect_dma semaphore(%arg12 : memref<!tpu.dma_semaphore, #tpu.memory_space<semaphore_mem>>) src(%dma_wait3A_678 : memref<100000x128xf32, #tpu.memory_space<hbm>>) dst(%dma_wait3A_672 : memref<128x128xf32, #tpu.memory_space<vmem>>)
    %add3A_679 = arith.constant 197 : i32
    %add3A_680 = arith.addi %mul3A_2, %add3A_679 : i32
    %dma_start3A_681 = arith.constant 5 : i32
    %dma_start3A_682 = arith.constant 0 : i32
    %dma_start3A_683 = arith.constant 0 : i32
    %dma_start3A_684 = tpu.memref_slice %arg6[%dma_start3A_681, %dma_start3A_682, %dma_start3A_683] : memref<6x128x128xf32, #tpu.memory_space<vmem>> -> memref<1x128x128xf32, #tpu.memory_space<vmem>>
    %dma_start3A_685 = tpu.memref_squeeze %dma_start3A_684 : memref<1x128x128xf32, #tpu.memory_space<vmem>> -> memref<128x128xf32, #tpu.memory_space<vmem>>
    %dma_start3A_686 = arith.constant 0 : i32
    %dma_start3A_687 = arith.constant 0 : i32
    %dma_start3A_688 = tpu.memref_slice %arg4[%add3A_680, %dma_start3A_686, %dma_start3A_687] : memref<6400x128x128xf32, #tpu.memory_space<hbm>> -> memref<1x128x128xf32, #tpu.memory_space<hbm>>
    %dma_start3A_689 = tpu.memref_squeeze %dma_start3A_688 : memref<1x128x128xf32, #tpu.memory_space<hbm>> -> memref<128x128xf32, #tpu.memory_space<hbm>>
    %dma_start3A_690 = arith.constant 0 : i32
    %dma_start3A_691 = arith.constant 0 : i32
    %dma_start3A_692 = tpu.memref_slice %arg4[%add3A_680, %dma_start3A_690, %dma_start3A_691] : memref<6400x128x128xf32, #tpu.memory_space<hbm>> -> memref<1x128x128xf32, #tpu.memory_space<hbm>>
    %dma_start3A_693 = tpu.memref_squeeze %dma_start3A_692 : memref<1x128x128xf32, #tpu.memory_space<hbm>> -> memref<128x128xf32, #tpu.memory_space<hbm>>
    %dma_start3A_694 = arith.constant 0 : i32
    %dma_start3A_695 = arith.constant 0 : i32
    %dma_start3A_696 = tpu.memref_slice %arg6[%dma_start3A_681, %dma_start3A_694, %dma_start3A_695] : memref<6x128x128xf32, #tpu.memory_space<vmem>> -> memref<1x128x128xf32, #tpu.memory_space<vmem>>
    %dma_start3A_697 = tpu.memref_squeeze %dma_start3A_696 : memref<1x128x128xf32, #tpu.memory_space<vmem>> -> memref<128x128xf32, #tpu.memory_space<vmem>>
    tpu.enqueue_dma source(%dma_start3A_697 : memref<128x128xf32, #tpu.memory_space<vmem>>) target(%dma_start3A_693 : memref<128x128xf32, #tpu.memory_space<hbm>>) target_semaphore(%arg18 : memref<!tpu.dma_semaphore, #tpu.memory_space<semaphore_mem>>)
    %dma_wait3A_698 = arith.constant 198 : i32
    %dma_wait3A_699 = arith.constant 0 : i32
    %dma_wait3A_700 = arith.constant 0 : i32
    %dma_wait3A_701 = arith.constant 0 : i32
    %dma_wait3A_702 = tpu.memref_slice %arg6[%dma_wait3A_699, %dma_wait3A_700, %dma_wait3A_701] : memref<6x128x128xf32, #tpu.memory_space<vmem>> -> memref<1x128x128xf32, #tpu.memory_space<vmem>>
    %dma_wait3A_703 = tpu.memref_squeeze %dma_wait3A_702 : memref<1x128x128xf32, #tpu.memory_space<vmem>> -> memref<128x128xf32, #tpu.memory_space<vmem>>
    %dma_wait3A_704 = arith.constant 0 : i32
    %dma_wait3A_705 = tpu.memref_slice %arg5[%dma_wait3A_698, %dma_wait3A_704] : memref<200x128xi32, #tpu.memory_space<vmem>> -> memref<1x128xi32, #tpu.memory_space<vmem>>
    %dma_wait3A_706 = tpu.memref_squeeze %dma_wait3A_705 : memref<1x128xi32, #tpu.memory_space<vmem>> -> memref<128xi32, #tpu.memory_space<vmem>>
    %dma_wait3A_707 = arith.constant 0 : i32
    %dma_wait3A_708 = arith.constant 0 : i32
    %dma_wait3A_709 = tpu.memref_slice %arg3[%dma_wait3A_707, %dma_wait3A_708] : memref<100000x128xf32, #tpu.memory_space<hbm>> -> memref<100000x128xf32, #tpu.memory_space<hbm>>
    tpu.wait_indirect_dma semaphore(%arg7 : memref<!tpu.dma_semaphore, #tpu.memory_space<semaphore_mem>>) src(%dma_wait3A_709 : memref<100000x128xf32, #tpu.memory_space<hbm>>) dst(%dma_wait3A_703 : memref<128x128xf32, #tpu.memory_space<vmem>>)
    %add3A_710 = arith.constant 198 : i32
    %add3A_711 = arith.addi %mul3A_2, %add3A_710 : i32
    %dma_start3A_712 = arith.constant 0 : i32
    %dma_start3A_713 = arith.constant 0 : i32
    %dma_start3A_714 = arith.constant 0 : i32
    %dma_start3A_715 = tpu.memref_slice %arg6[%dma_start3A_712, %dma_start3A_713, %dma_start3A_714] : memref<6x128x128xf32, #tpu.memory_space<vmem>> -> memref<1x128x128xf32, #tpu.memory_space<vmem>>
    %dma_start3A_716 = tpu.memref_squeeze %dma_start3A_715 : memref<1x128x128xf32, #tpu.memory_space<vmem>> -> memref<128x128xf32, #tpu.memory_space<vmem>>
    %dma_start3A_717 = arith.constant 0 : i32
    %dma_start3A_718 = arith.constant 0 : i32
    %dma_start3A_719 = tpu.memref_slice %arg4[%add3A_711, %dma_start3A_717, %dma_start3A_718] : memref<6400x128x128xf32, #tpu.memory_space<hbm>> -> memref<1x128x128xf32, #tpu.memory_space<hbm>>
    %dma_start3A_720 = tpu.memref_squeeze %dma_start3A_719 : memref<1x128x128xf32, #tpu.memory_space<hbm>> -> memref<128x128xf32, #tpu.memory_space<hbm>>
    %dma_start3A_721 = arith.constant 0 : i32
    %dma_start3A_722 = arith.constant 0 : i32
    %dma_start3A_723 = tpu.memref_slice %arg4[%add3A_711, %dma_start3A_721, %dma_start3A_722] : memref<6400x128x128xf32, #tpu.memory_space<hbm>> -> memref<1x128x128xf32, #tpu.memory_space<hbm>>
    %dma_start3A_724 = tpu.memref_squeeze %dma_start3A_723 : memref<1x128x128xf32, #tpu.memory_space<hbm>> -> memref<128x128xf32, #tpu.memory_space<hbm>>
    %dma_start3A_725 = arith.constant 0 : i32
    %dma_start3A_726 = arith.constant 0 : i32
    %dma_start3A_727 = tpu.memref_slice %arg6[%dma_start3A_712, %dma_start3A_725, %dma_start3A_726] : memref<6x128x128xf32, #tpu.memory_space<vmem>> -> memref<1x128x128xf32, #tpu.memory_space<vmem>>
    %dma_start3A_728 = tpu.memref_squeeze %dma_start3A_727 : memref<1x128x128xf32, #tpu.memory_space<vmem>> -> memref<128x128xf32, #tpu.memory_space<vmem>>
    tpu.enqueue_dma source(%dma_start3A_728 : memref<128x128xf32, #tpu.memory_space<vmem>>) target(%dma_start3A_724 : memref<128x128xf32, #tpu.memory_space<hbm>>) target_semaphore(%arg13 : memref<!tpu.dma_semaphore, #tpu.memory_space<semaphore_mem>>)
    %dma_wait3A_729 = arith.constant 199 : i32
    %dma_wait3A_730 = arith.constant 1 : i32
    %dma_wait3A_731 = arith.constant 0 : i32
    %dma_wait3A_732 = arith.constant 0 : i32
    %dma_wait3A_733 = tpu.memref_slice %arg6[%dma_wait3A_730, %dma_wait3A_731, %dma_wait3A_732] : memref<6x128x128xf32, #tpu.memory_space<vmem>> -> memref<1x128x128xf32, #tpu.memory_space<vmem>>
    %dma_wait3A_734 = tpu.memref_squeeze %dma_wait3A_733 : memref<1x128x128xf32, #tpu.memory_space<vmem>> -> memref<128x128xf32, #tpu.memory_space<vmem>>
    %dma_wait3A_735 = arith.constant 0 : i32
    %dma_wait3A_736 = tpu.memref_slice %arg5[%dma_wait3A_729, %dma_wait3A_735] : memref<200x128xi32, #tpu.memory_space<vmem>> -> memref<1x128xi32, #tpu.memory_space<vmem>>
    %dma_wait3A_737 = tpu.memref_squeeze %dma_wait3A_736 : memref<1x128xi32, #tpu.memory_space<vmem>> -> memref<128xi32, #tpu.memory_space<vmem>>
    %dma_wait3A_738 = arith.constant 0 : i32
    %dma_wait3A_739 = arith.constant 0 : i32
    %dma_wait3A_740 = tpu.memref_slice %arg3[%dma_wait3A_738, %dma_wait3A_739] : memref<100000x128xf32, #tpu.memory_space<hbm>> -> memref<100000x128xf32, #tpu.memory_space<hbm>>
    tpu.wait_indirect_dma semaphore(%arg8 : memref<!tpu.dma_semaphore, #tpu.memory_space<semaphore_mem>>) src(%dma_wait3A_740 : memref<100000x128xf32, #tpu.memory_space<hbm>>) dst(%dma_wait3A_734 : memref<128x128xf32, #tpu.memory_space<vmem>>)
    %add3A_741 = arith.constant 199 : i32
    %add3A_742 = arith.addi %mul3A_2, %add3A_741 : i32
    %dma_start3A_743 = arith.constant 1 : i32
    %dma_start3A_744 = arith.constant 0 : i32
    %dma_start3A_745 = arith.constant 0 : i32
    %dma_start3A_746 = tpu.memref_slice %arg6[%dma_start3A_743, %dma_start3A_744, %dma_start3A_745] : memref<6x128x128xf32, #tpu.memory_space<vmem>> -> memref<1x128x128xf32, #tpu.memory_space<vmem>>
    %dma_start3A_747 = tpu.memref_squeeze %dma_start3A_746 : memref<1x128x128xf32, #tpu.memory_space<vmem>> -> memref<128x128xf32, #tpu.memory_space<vmem>>
    %dma_start3A_748 = arith.constant 0 : i32
    %dma_start3A_749 = arith.constant 0 : i32
    %dma_start3A_750 = tpu.memref_slice %arg4[%add3A_742, %dma_start3A_748, %dma_start3A_749] : memref<6400x128x128xf32, #tpu.memory_space<hbm>> -> memref<1x128x128xf32, #tpu.memory_space<hbm>>
    %dma_start3A_751 = tpu.memref_squeeze %dma_start3A_750 : memref<1x128x128xf32, #tpu.memory_space<hbm>> -> memref<128x128xf32, #tpu.memory_space<hbm>>
    %dma_start3A_752 = arith.constant 0 : i32
    %dma_start3A_753 = arith.constant 0 : i32
    %dma_start3A_754 = tpu.memref_slice %arg4[%add3A_742, %dma_start3A_752, %dma_start3A_753] : memref<6400x128x128xf32, #tpu.memory_space<hbm>> -> memref<1x128x128xf32, #tpu.memory_space<hbm>>
    %dma_start3A_755 = tpu.memref_squeeze %dma_start3A_754 : memref<1x128x128xf32, #tpu.memory_space<hbm>> -> memref<128x128xf32, #tpu.memory_space<hbm>>
    %dma_start3A_756 = arith.constant 0 : i32
    %dma_start3A_757 = arith.constant 0 : i32
    %dma_start3A_758 = tpu.memref_slice %arg6[%dma_start3A_743, %dma_start3A_756, %dma_start3A_757] : memref<6x128x128xf32, #tpu.memory_space<vmem>> -> memref<1x128x128xf32, #tpu.memory_space<vmem>>
    %dma_start3A_759 = tpu.memref_squeeze %dma_start3A_758 : memref<1x128x128xf32, #tpu.memory_space<vmem>> -> memref<128x128xf32, #tpu.memory_space<vmem>>
    tpu.enqueue_dma source(%dma_start3A_759 : memref<128x128xf32, #tpu.memory_space<vmem>>) target(%dma_start3A_755 : memref<128x128xf32, #tpu.memory_space<hbm>>) target_semaphore(%arg14 : memref<!tpu.dma_semaphore, #tpu.memory_space<semaphore_mem>>)
    %add3A_760 = arith.constant 194 : i32
    %add3A_761 = arith.addi %mul3A_2, %add3A_760 : i32
    %dma_wait3A_762 = arith.constant 2 : i32
    %dma_wait3A_763 = arith.constant 0 : i32
    %dma_wait3A_764 = arith.constant 0 : i32
    %dma_wait3A_765 = tpu.memref_slice %arg6[%dma_wait3A_762, %dma_wait3A_763, %dma_wait3A_764] : memref<6x128x128xf32, #tpu.memory_space<vmem>> -> memref<1x128x128xf32, #tpu.memory_space<vmem>>
    %dma_wait3A_766 = tpu.memref_squeeze %dma_wait3A_765 : memref<1x128x128xf32, #tpu.memory_space<vmem>> -> memref<128x128xf32, #tpu.memory_space<vmem>>
    %dma_wait3A_767 = arith.constant 0 : i32
    %dma_wait3A_768 = arith.constant 0 : i32
    %dma_wait3A_769 = tpu.memref_slice %arg4[%add3A_761, %dma_wait3A_767, %dma_wait3A_768] : memref<6400x128x128xf32, #tpu.memory_space<hbm>> -> memref<1x128x128xf32, #tpu.memory_space<hbm>>
    %dma_wait3A_770 = tpu.memref_squeeze %dma_wait3A_769 : memref<1x128x128xf32, #tpu.memory_space<hbm>> -> memref<128x128xf32, #tpu.memory_space<hbm>>
    %dma_wait3A_771 = arith.constant 0 : i32
    %dma_wait3A_772 = arith.constant 0 : i32
    %dma_wait3A_773 = tpu.memref_slice %arg4[%add3A_761, %dma_wait3A_771, %dma_wait3A_772] : memref<6400x128x128xf32, #tpu.memory_space<hbm>> -> memref<1x128x128xf32, #tpu.memory_space<hbm>>
    %dma_wait3A_774 = tpu.memref_squeeze %dma_wait3A_773 : memref<1x128x128xf32, #tpu.memory_space<hbm>> -> memref<128x128xf32, #tpu.memory_space<hbm>>
    %dma_wait3A_775 = arith.constant 0 : i32
    %dma_wait3A_776 = arith.constant 0 : i32
    %dma_wait3A_777 = tpu.memref_slice %arg6[%dma_wait3A_762, %dma_wait3A_775, %dma_wait3A_776] : memref<6x128x128xf32, #tpu.memory_space<vmem>> -> memref<1x128x128xf32, #tpu.memory_space<vmem>>
    %dma_wait3A_778 = tpu.memref_squeeze %dma_wait3A_777 : memref<1x128x128xf32, #tpu.memory_space<vmem>> -> memref<128x128xf32, #tpu.memory_space<vmem>>
    tpu.wait_dma2 semaphore(%arg15 : memref<!tpu.dma_semaphore, #tpu.memory_space<semaphore_mem>>) src(%dma_wait3A_778 : memref<128x128xf32, #tpu.memory_space<vmem>>) dst(%dma_wait3A_774 : memref<128x128xf32, #tpu.memory_space<hbm>>)
    %add3A_779 = arith.constant 195 : i32
    %add3A_780 = arith.addi %mul3A_2, %add3A_779 : i32
    %dma_wait3A_781 = arith.constant 3 : i32
    %dma_wait3A_782 = arith.constant 0 : i32
    %dma_wait3A_783 = arith.constant 0 : i32
    %dma_wait3A_784 = tpu.memref_slice %arg6[%dma_wait3A_781, %dma_wait3A_782, %dma_wait3A_783] : memref<6x128x128xf32, #tpu.memory_space<vmem>> -> memref<1x128x128xf32, #tpu.memory_space<vmem>>
    %dma_wait3A_785 = tpu.memref_squeeze %dma_wait3A_784 : memref<1x128x128xf32, #tpu.memory_space<vmem>> -> memref<128x128xf32, #tpu.memory_space<vmem>>
    %dma_wait3A_786 = arith.constant 0 : i32
    %dma_wait3A_787 = arith.constant 0 : i32
    %dma_wait3A_788 = tpu.memref_slice %arg4[%add3A_780, %dma_wait3A_786, %dma_wait3A_787] : memref<6400x128x128xf32, #tpu.memory_space<hbm>> -> memref<1x128x128xf32, #tpu.memory_space<hbm>>
    %dma_wait3A_789 = tpu.memref_squeeze %dma_wait3A_788 : memref<1x128x128xf32, #tpu.memory_space<hbm>> -> memref<128x128xf32, #tpu.memory_space<hbm>>
    %dma_wait3A_790 = arith.constant 0 : i32
    %dma_wait3A_791 = arith.constant 0 : i32
    %dma_wait3A_792 = tpu.memref_slice %arg4[%add3A_780, %dma_wait3A_790, %dma_wait3A_791] : memref<6400x128x128xf32, #tpu.memory_space<hbm>> -> memref<1x128x128xf32, #tpu.memory_space<hbm>>
    %dma_wait3A_793 = tpu.memref_squeeze %dma_wait3A_792 : memref<1x128x128xf32, #tpu.memory_space<hbm>> -> memref<128x128xf32, #tpu.memory_space<hbm>>
    %dma_wait3A_794 = arith.constant 0 : i32
    %dma_wait3A_795 = arith.constant 0 : i32
    %dma_wait3A_796 = tpu.memref_slice %arg6[%dma_wait3A_781, %dma_wait3A_794, %dma_wait3A_795] : memref<6x128x128xf32, #tpu.memory_space<vmem>> -> memref<1x128x128xf32, #tpu.memory_space<vmem>>
    %dma_wait3A_797 = tpu.memref_squeeze %dma_wait3A_796 : memref<1x128x128xf32, #tpu.memory_space<vmem>> -> memref<128x128xf32, #tpu.memory_space<vmem>>
    tpu.wait_dma2 semaphore(%arg16 : memref<!tpu.dma_semaphore, #tpu.memory_space<semaphore_mem>>) src(%dma_wait3A_797 : memref<128x128xf32, #tpu.memory_space<vmem>>) dst(%dma_wait3A_793 : memref<128x128xf32, #tpu.memory_space<hbm>>)
    %add3A_798 = arith.constant 196 : i32
    %add3A_799 = arith.addi %mul3A_2, %add3A_798 : i32
    %dma_wait3A_800 = arith.constant 4 : i32
    %dma_wait3A_801 = arith.constant 0 : i32
    %dma_wait3A_802 = arith.constant 0 : i32
    %dma_wait3A_803 = tpu.memref_slice %arg6[%dma_wait3A_800, %dma_wait3A_801, %dma_wait3A_802] : memref<6x128x128xf32, #tpu.memory_space<vmem>> -> memref<1x128x128xf32, #tpu.memory_space<vmem>>
    %dma_wait3A_804 = tpu.memref_squeeze %dma_wait3A_803 : memref<1x128x128xf32, #tpu.memory_space<vmem>> -> memref<128x128xf32, #tpu.memory_space<vmem>>
    %dma_wait3A_805 = arith.constant 0 : i32
    %dma_wait3A_806 = arith.constant 0 : i32
    %dma_wait3A_807 = tpu.memref_slice %arg4[%add3A_799, %dma_wait3A_805, %dma_wait3A_806] : memref<6400x128x128xf32, #tpu.memory_space<hbm>> -> memref<1x128x128xf32, #tpu.memory_space<hbm>>
    %dma_wait3A_808 = tpu.memref_squeeze %dma_wait3A_807 : memref<1x128x128xf32, #tpu.memory_space<hbm>> -> memref<128x128xf32, #tpu.memory_space<hbm>>
    %dma_wait3A_809 = arith.constant 0 : i32
    %dma_wait3A_810 = arith.constant 0 : i32
    %dma_wait3A_811 = tpu.memref_slice %arg4[%add3A_799, %dma_wait3A_809, %dma_wait3A_810] : memref<6400x128x128xf32, #tpu.memory_space<hbm>> -> memref<1x128x128xf32, #tpu.memory_space<hbm>>
    %dma_wait3A_812 = tpu.memref_squeeze %dma_wait3A_811 : memref<1x128x128xf32, #tpu.memory_space<hbm>> -> memref<128x128xf32, #tpu.memory_space<hbm>>
    %dma_wait3A_813 = arith.constant 0 : i32
    %dma_wait3A_814 = arith.constant 0 : i32
    %dma_wait3A_815 = tpu.memref_slice %arg6[%dma_wait3A_800, %dma_wait3A_813, %dma_wait3A_814] : memref<6x128x128xf32, #tpu.memory_space<vmem>> -> memref<1x128x128xf32, #tpu.memory_space<vmem>>
    %dma_wait3A_816 = tpu.memref_squeeze %dma_wait3A_815 : memref<1x128x128xf32, #tpu.memory_space<vmem>> -> memref<128x128xf32, #tpu.memory_space<vmem>>
    tpu.wait_dma2 semaphore(%arg17 : memref<!tpu.dma_semaphore, #tpu.memory_space<semaphore_mem>>) src(%dma_wait3A_816 : memref<128x128xf32, #tpu.memory_space<vmem>>) dst(%dma_wait3A_812 : memref<128x128xf32, #tpu.memory_space<hbm>>)
    %add3A_817 = arith.constant 197 : i32
    %add3A_818 = arith.addi %mul3A_2, %add3A_817 : i32
    %dma_wait3A_819 = arith.constant 5 : i32
    %dma_wait3A_820 = arith.constant 0 : i32
    %dma_wait3A_821 = arith.constant 0 : i32
    %dma_wait3A_822 = tpu.memref_slice %arg6[%dma_wait3A_819, %dma_wait3A_820, %dma_wait3A_821] : memref<6x128x128xf32, #tpu.memory_space<vmem>> -> memref<1x128x128xf32, #tpu.memory_space<vmem>>
    %dma_wait3A_823 = tpu.memref_squeeze %dma_wait3A_822 : memref<1x128x128xf32, #tpu.memory_space<vmem>> -> memref<128x128xf32, #tpu.memory_space<vmem>>
    %dma_wait3A_824 = arith.constant 0 : i32
    %dma_wait3A_825 = arith.constant 0 : i32
    %dma_wait3A_826 = tpu.memref_slice %arg4[%add3A_818, %dma_wait3A_824, %dma_wait3A_825] : memref<6400x128x128xf32, #tpu.memory_space<hbm>> -> memref<1x128x128xf32, #tpu.memory_space<hbm>>
    %dma_wait3A_827 = tpu.memref_squeeze %dma_wait3A_826 : memref<1x128x128xf32, #tpu.memory_space<hbm>> -> memref<128x128xf32, #tpu.memory_space<hbm>>
    %dma_wait3A_828 = arith.constant 0 : i32
    %dma_wait3A_829 = arith.constant 0 : i32
    %dma_wait3A_830 = tpu.memref_slice %arg4[%add3A_818, %dma_wait3A_828, %dma_wait3A_829] : memref<6400x128x128xf32, #tpu.memory_space<hbm>> -> memref<1x128x128xf32, #tpu.memory_space<hbm>>
    %dma_wait3A_831 = tpu.memref_squeeze %dma_wait3A_830 : memref<1x128x128xf32, #tpu.memory_space<hbm>> -> memref<128x128xf32, #tpu.memory_space<hbm>>
    %dma_wait3A_832 = arith.constant 0 : i32
    %dma_wait3A_833 = arith.constant 0 : i32
    %dma_wait3A_834 = tpu.memref_slice %arg6[%dma_wait3A_819, %dma_wait3A_832, %dma_wait3A_833] : memref<6x128x128xf32, #tpu.memory_space<vmem>> -> memref<1x128x128xf32, #tpu.memory_space<vmem>>
    %dma_wait3A_835 = tpu.memref_squeeze %dma_wait3A_834 : memref<1x128x128xf32, #tpu.memory_space<vmem>> -> memref<128x128xf32, #tpu.memory_space<vmem>>
    tpu.wait_dma2 semaphore(%arg18 : memref<!tpu.dma_semaphore, #tpu.memory_space<semaphore_mem>>) src(%dma_wait3A_835 : memref<128x128xf32, #tpu.memory_space<vmem>>) dst(%dma_wait3A_831 : memref<128x128xf32, #tpu.memory_space<hbm>>)
    %add3A_836 = arith.constant 198 : i32
    %add3A_837 = arith.addi %mul3A_2, %add3A_836 : i32
    %dma_wait3A_838 = arith.constant 0 : i32
    %dma_wait3A_839 = arith.constant 0 : i32
    %dma_wait3A_840 = arith.constant 0 : i32
    %dma_wait3A_841 = tpu.memref_slice %arg6[%dma_wait3A_838, %dma_wait3A_839, %dma_wait3A_840] : memref<6x128x128xf32, #tpu.memory_space<vmem>> -> memref<1x128x128xf32, #tpu.memory_space<vmem>>
    %dma_wait3A_842 = tpu.memref_squeeze %dma_wait3A_841 : memref<1x128x128xf32, #tpu.memory_space<vmem>> -> memref<128x128xf32, #tpu.memory_space<vmem>>
    %dma_wait3A_843 = arith.constant 0 : i32
    %dma_wait3A_844 = arith.constant 0 : i32
    %dma_wait3A_845 = tpu.memref_slice %arg4[%add3A_837, %dma_wait3A_843, %dma_wait3A_844] : memref<6400x128x128xf32, #tpu.memory_space<hbm>> -> memref<1x128x128xf32, #tpu.memory_space<hbm>>
    %dma_wait3A_846 = tpu.memref_squeeze %dma_wait3A_845 : memref<1x128x128xf32, #tpu.memory_space<hbm>> -> memref<128x128xf32, #tpu.memory_space<hbm>>
    %dma_wait3A_847 = arith.constant 0 : i32
    %dma_wait3A_848 = arith.constant 0 : i32
    %dma_wait3A_849 = tpu.memref_slice %arg4[%add3A_837, %dma_wait3A_847, %dma_wait3A_848] : memref<6400x128x128xf32, #tpu.memory_space<hbm>> -> memref<1x128x128xf32, #tpu.memory_space<hbm>>
    %dma_wait3A_850 = tpu.memref_squeeze %dma_wait3A_849 : memref<1x128x128xf32, #tpu.memory_space<hbm>> -> memref<128x128xf32, #tpu.memory_space<hbm>>
    %dma_wait3A_851 = arith.constant 0 : i32
    %dma_wait3A_852 = arith.constant 0 : i32
    %dma_wait3A_853 = tpu.memref_slice %arg6[%dma_wait3A_838, %dma_wait3A_851, %dma_wait3A_852] : memref<6x128x128xf32, #tpu.memory_space<vmem>> -> memref<1x128x128xf32, #tpu.memory_space<vmem>>
    %dma_wait3A_854 = tpu.memref_squeeze %dma_wait3A_853 : memref<1x128x128xf32, #tpu.memory_space<vmem>> -> memref<128x128xf32, #tpu.memory_space<vmem>>
    tpu.wait_dma2 semaphore(%arg13 : memref<!tpu.dma_semaphore, #tpu.memory_space<semaphore_mem>>) src(%dma_wait3A_854 : memref<128x128xf32, #tpu.memory_space<vmem>>) dst(%dma_wait3A_850 : memref<128x128xf32, #tpu.memory_space<hbm>>)
    %add3A_855 = arith.constant 199 : i32
    %add3A_856 = arith.addi %mul3A_2, %add3A_855 : i32
    %dma_wait3A_857 = arith.constant 1 : i32
    %dma_wait3A_858 = arith.constant 0 : i32
    %dma_wait3A_859 = arith.constant 0 : i32
    %dma_wait3A_860 = tpu.memref_slice %arg6[%dma_wait3A_857, %dma_wait3A_858, %dma_wait3A_859] : memref<6x128x128xf32, #tpu.memory_space<vmem>> -> memref<1x128x128xf32, #tpu.memory_space<vmem>>
    %dma_wait3A_861 = tpu.memref_squeeze %dma_wait3A_860 : memref<1x128x128xf32, #tpu.memory_space<vmem>> -> memref<128x128xf32, #tpu.memory_space<vmem>>
    %dma_wait3A_862 = arith.constant 0 : i32
    %dma_wait3A_863 = arith.constant 0 : i32
    %dma_wait3A_864 = tpu.memref_slice %arg4[%add3A_856, %dma_wait3A_862, %dma_wait3A_863] : memref<6400x128x128xf32, #tpu.memory_space<hbm>> -> memref<1x128x128xf32, #tpu.memory_space<hbm>>
    %dma_wait3A_865 = tpu.memref_squeeze %dma_wait3A_864 : memref<1x128x128xf32, #tpu.memory_space<hbm>> -> memref<128x128xf32, #tpu.memory_space<hbm>>
    %dma_wait3A_866 = arith.constant 0 : i32
    %dma_wait3A_867 = arith.constant 0 : i32
    %dma_wait3A_868 = tpu.memref_slice %arg4[%add3A_856, %dma_wait3A_866, %dma_wait3A_867] : memref<6400x128x128xf32, #tpu.memory_space<hbm>> -> memref<1x128x128xf32, #tpu.memory_space<hbm>>
    %dma_wait3A_869 = tpu.memref_squeeze %dma_wait3A_868 : memref<1x128x128xf32, #tpu.memory_space<hbm>> -> memref<128x128xf32, #tpu.memory_space<hbm>>
    %dma_wait3A_870 = arith.constant 0 : i32
    %dma_wait3A_871 = arith.constant 0 : i32
    %dma_wait3A_872 = tpu.memref_slice %arg6[%dma_wait3A_857, %dma_wait3A_870, %dma_wait3A_871] : memref<6x128x128xf32, #tpu.memory_space<vmem>> -> memref<1x128x128xf32, #tpu.memory_space<vmem>>
    %dma_wait3A_873 = tpu.memref_squeeze %dma_wait3A_872 : memref<1x128x128xf32, #tpu.memory_space<vmem>> -> memref<128x128xf32, #tpu.memory_space<vmem>>
    tpu.wait_dma2 semaphore(%arg14 : memref<!tpu.dma_semaphore, #tpu.memory_space<semaphore_mem>>) src(%dma_wait3A_873 : memref<128x128xf32, #tpu.memory_space<vmem>>) dst(%dma_wait3A_869 : memref<128x128xf32, #tpu.memory_space<hbm>>)
    return
  }
}

</mosaic_0001>

<sc_bundles>
// kernel: kernel.3.cloned.1.call-start
scs
__scs_entry_jumppad:
0x0: {  	(pc) =	sbr.rel $0x88, $3  }
0x1: {  	(tag) =	ssettag $0x0;
	lr =	simm.s32 $0x1  }
0x2: {  	[smem:$0x3F9F] =	sst lr;
	_ =	strace $0xD0000000  }
0x3: {  	_ = 	snop  }
0x4: {  	_ = 	snop  }
0x5: {  	_ = 	snop  }
0x6: {  	_ = 	snop  }
0x7: {  	_ = 	snop  }
__scs_overlays_trampoline_lowered:
0x8: {  	[smem:$0x3FAE] =	sst s0  }
0x9: {  	[smem:$0x3FAF] =	sst s1  }
0xa: {  	[smem:$0x3FB0] =	sst s2  }
0xb: {  	[smem:$0x3FB1] =	sst s3  }
0xc: {  	[smem:$0x3FB2] =	sst s4  }
0xd: {  	[smem:$0x3FB3] =	sst s5  }
0xe: {  	[smem:$0x3FB4] =	sst s6  }
0xf: {  	[smem:$0x3FB5] =	sst s7  }
0x10: {  	[smem:$0x3FB6] =	sst s8  }
0x11: {  	[smem:$0x3FB7] =	sst s9;
	s0 =	simm.s32 @!p0 $0x0  }
0x12: {  	s1 =	sld [smem:$0x3F9D];
	s0 =	simm.s32 @p0 $0x1  }
0x13: {  	[smem:$0x3FB8] =	sst s0;
	s0 =	simm.s32 @!p1 $0x0  }
0x14: {  	s2 =	sld [smem:$0x3F9C];
	s0 =	simm.s32 @p1 $0x1  }
0x15: {  	[smem:$0x3FB9] =	sst s0;
	s0 =	simm.s32 @!p2 $0x0  }
0x16: {  	s3 =	sld [smem:$0x3FDB];
	s0 =	simm.s32 @p2 $0x1  }
0x17: {  	s4 =	simm.s32 $0x1BF5;
	[smem:$0x3FBB] =	sst s0  }
0x18: {  	s0 =	sld [smem:$0x3F9E];
	_ =	swait.ge [sflag:s4], $0x0  }
0x19: {  	s7 =	sld [smem:$0x3F9F]  }
0x1a: {  	s8 =	sadd.s32 $0xFFFFE003, lr  }
0x1b: {  	s9 =	sadd.s32 $0xFFFFFEF7, lr;
	s5 =	simm.s32 $0xFFFFFFFF;
	p2 =	slt.u32 s8, $0xFFFFF086  }
0x1c: {  	p1 =	slt.u32 s9, $0xF7A;
	s5 =	simm.s32 @!p2 $0x0  }
0x1d: {  	s5 =	simm.s32 @p1 $0x1;
	p0 =	seq.s32 s7, s2  }
0x1e: {  	s7 =	smul.u32 @!p0 $0xF7A, s2;
	p2 =	seq.s32 @!p0 s5, $0x0  }
0x1f: {  	s9 =	smul.u32 $0xF7A, s1;
	s8 =	simm.s32 @!p0 $0x1BF5;
	p2 =	por !p2, p0  }
0x20: {  	[sflag:s8] =	ssyncset.s32 @!p0 $0xFFFFF086;
	s6 =	sadd.s32 @!p0 s3, s7;
	s7 =	simm.s32 @!p0 $0x108  }
0x21: {  	s3 =	sadd.s32 s3, s9;
	s6 =	sadd.s32 @!p0 $0x88, s6;
	s7 =	simm.s32 @p2 $0x1082  }
0x22: {  	[simem:s7], [sflag:s8] =	dma.local @!p0 [hbm:s6], $0xF7A  }
0x23: {  	s9 =	sor.u32 $0xD0000000, s2;
	s6 =	simm.s32 $0x108;
	_ =	swait.ge @!p0 [sflag:s8], $0x0  }
0x24: {  	s3 =	sadd.s32 $0x88, s3;
	s6 =	simm.s32 @!p1 $0x1082;
	[sflag:s4] =	ssyncset.s32 $0xFFFFF086  }
0x25: {  	[simem:s6], [sflag:s4] =	dma.local [hbm:s3], $0xF7A  }
0x26: {  	[smem:$0x3F9F] =	sst s1;
	(tag) =	ssettag s2;
	_ =	strace s9  }
0x27: {  	s1 =	sld [smem:$0x3FAF]  }
0x28: {  	s2 =	sld [smem:$0x3FB0]  }
0x29: {  	s4 =	sld [smem:$0x3FB2]  }
0x2a: {  	p0 =	seq.s32 s5, $0x0;
	s5 =	sld [smem:$0x3FB3]  }
0x2b: {  	s6 =	sld [smem:$0x3FB4]  }
0x2c: {  	s7 =	sld [smem:$0x3FB5]  }
0x2d: {  	s3 =	simm.s32 $0x108;
	s8 =	sld [smem:$0x3FB6]  }
0x2e: {  	s3 =	simm.s32 @!p0 $0x1082;
	s9 =	sld [smem:$0x3FB7]  }
0x2f: {  	lr =	sadd.s32 s0, s3;
	s0 =	sld [smem:$0x3FAE]  }
0x30: {  	s3 =	sld [smem:$0x3FB1]  }
0x31: {  	[smem:$0x3FBA] =	sst s10  }
0x32: {  	s10 =	sld [smem:$0x3FB8];
	_ =	sdelay $0x3  }
0x33: {  	p0 =	seq.s32 s10, $0x1;
	s10 =	sld [smem:$0x3FBA];
	_ =	sdelay $0x3  }
0x34: {  	[smem:$0x3FBA] =	sst s10  }
0x35: {  	s10 =	sld [smem:$0x3FB9];
	_ =	sdelay $0x3  }
0x36: {  	p1 =	seq.s32 s10, $0x1;
	s10 =	sld [smem:$0x3FBA];
	_ =	sdelay $0x3  }
0x37: {  	[smem:$0x3FBA] =	sst s10  }
0x38: {  	s10 =	sld [smem:$0x3FBB]  }
0x39: {  	_ = 	snop;
	(pc) =	sbr.ind lr, $3  }
0x3a: {  	_ = 	snop  }
0x3b: {  	_ = 	snop  }
0x3c: {  	p2 =	seq.s32 s10, $0x1;
	s10 =	sld [smem:$0x3FBA]  }
0x3d: {  	_ =	shalt  }
0x3e: {  	_ =	shalt  }
0x3f: {  	_ =	shalt  }
0x40: {  	_ =	shalt  }
0x41: {  	_ =	shalt  }
0x42: {  	_ =	shalt  }
0x43: {  	_ =	shalt  }
0x44: {  	_ =	shalt  }
0x45: {  	_ =	shalt  }
0x46: {  	_ =	shalt  }
0x47: {  	_ =	shalt  }
0x48: {  	_ =	shalt  }
0x49: {  	_ =	shalt  }
0x4a: {  	_ =	shalt  }
0x4b: {  	_ =	shalt  }
0x4c: {  	_ =	shalt  }
0x4d: {  	_ =	shalt  }
0x4e: {  	_ =	shalt  }
0x4f: {  	_ =	shalt  }
0x50: {  	_ =	shalt  }
0x51: {  	_ =	shalt  }
0x52: {  	_ =	shalt  }
0x53: {  	_ =	shalt  }
0x54: {  	_ =	shalt  }
0x55: {  	_ =	shalt  }
0x56: {  	_ =	shalt  }
0x57: {  	_ =	shalt  }
0x58: {  	_ =	shalt  }
0x59: {  	_ =	shalt  }
0x5a: {  	_ =	shalt  }
0x5b: {  	_ =	shalt  }
0x5c: {  	_ =	shalt  }
0x5d: {  	_ =	shalt  }
0x5e: {  	_ =	shalt  }
0x5f: {  	_ =	shalt  }
0x60: {  	_ =	shalt  }
0x61: {  	_ =	shalt  }
0x62: {  	_ =	shalt  }
0x63: {  	_ =	shalt  }
0x64: {  	_ =	shalt  }
0x65: {  	_ =	shalt  }
0x66: {  	_ =	shalt  }
0x67: {  	_ =	shalt  }
0x68: {  	_ =	shalt  }
0x69: {  	_ =	shalt  }
0x6a: {  	_ =	shalt  }
0x6b: {  	_ =	shalt  }
0x6c: {  	_ =	shalt  }
0x6d: {  	_ =	shalt  }
0x6e: {  	_ =	shalt  }
0x6f: {  	_ =	shalt  }
0x70: {  	_ =	shalt  }
0x71: {  	_ =	shalt  }
0x72: {  	_ =	shalt  }
0x73: {  	_ =	shalt  }
0x74: {  	_ =	shalt  }
0x75: {  	_ =	shalt  }
0x76: {  	_ =	shalt  }
0x77: {  	_ =	shalt  }
0x78: {  	_ =	shalt  }
0x79: {  	_ =	shalt  }
0x7a: {  	_ =	shalt  }
0x7b: {  	_ =	shalt  }
0x7c: {  	_ =	shalt  }
0x7d: {  	_ =	shalt  }
0x7e: {  	_ =	shalt  }
0x7f: {  	_ =	shalt  }
0x80: {  	_ =	shalt  }
0x81: {  	_ =	shalt  }
0x82: {  	_ =	shalt  }
0x83: {  	_ =	shalt  }
0x84: {  	_ =	shalt  }
0x85: {  	_ =	shalt  }
0x86: {  	_ =	shalt  }
0x87: {  	_ =	shalt  }
.Lfunc_end0:
.L_simem_size_0:
called_computation_lowered:
.L_overlay_start_0:
0x88: {  	s2 =	sld [smem:$0x3FD9]  }
0x89: {  	s3 =	sld [smem:$0x3FFE];
	_ =	sdelay $0x1  }
0x8a: {  	s1 =	srdreg.scid  }
0x8b: {  	s0 =	sand.u32 $0x1, s1  }
0x8c: {  	s17 =	sshll.u32 s0, $0xA;
	s2 =	sadd.s32 s3, s2  }
0x8d: {  	s2 =	sadd.s32 s2, s17  }
0x8e: {  	[smem:$0x3FC6] =	sst s2  }
0x8f: {  	_ = 	snop  }
0x90: {  	s2 =	sld [smem:$0x3FC8]  }
0x91: {  	s18 =	sld [smem:$0x3FD0];
	(tm) =	ssettm $0x1  }
0x92: {  	s4 =	sld [smem:$0x3FFB];
	_ =	sdelay $0x3  }
0x93: {  	_ =	strace s4  }
0x94: {  	s4 =	sld [smem:$0x3FFC];
	_ =	sdelay $0x3  }
0x95: {  	_ =	strace s4  }
0x96: {  	s4 =	sld [smem:$0x3FFD];
	_ =	sdelay $0x3  }
0x97: {  	_ =	strace s4  }
0x98: {  	_ =	strace $0x8FFFFFFF  }
0x99: {  	s19 =	sld [smem:$0x3FDB];
	_ =	sdelay $0x1  }
0x9a: {  	s5 =	simm.s32 $_scs_section_size  }
0x9b: {  	s6 =	simm.s32 $_size__tile_overlayer_lowered;
	s7 =	simm.s32 $_tile_overlayer_lowered  }
0x9c: {  	s22 =	simm.s32 $0x1BFF;
	s21 =	sshll.u32 s7, $0x1;
	s4 =	sadd.s32 s5, s19  }
0x9d: {  	s8 =	simm.s32 $0x0;
	s20 =	sshll.u32 s6, $0x1;
	s6 =	sadd.s32 s21, s4  }
0x9e: {  	[timem:s8], [sflag:s22] =	dma.local [hbm:s6], s20  }
0x9f: {  	_ =	swait.ge [sflag:s22], s20  }
0xa0: {  	s5 =	ssub.s32 $0x0, s20;
	[sflag:s22] =	ssyncset.done $0x0  }
0xa1: {  	[sflag:s22] =	ssyncadd.s32 s5;
	_ =	sdelay $0x1  }
0xa2: {  	s23 =	simm.s32 $0x1B8B  }
0xa3: {  	_ =	swait.ge [sflag:s23], $0x1  }
0xa4: {  	[sflag:s23] =	ssyncset.done $0x0  }
0xa5: {  	s25 =	simm.s32 $0x1B8E;
	s24 =	sld [smem:$0x3FFE];
	[sflag:s23] =	ssyncadd.s32 $0xFFFFFFFF  }
0xa6: {  	s26 =	simm.s32 $execute0_lowered;
	[smem:$0x3FD2] =	sst s25  }
0xa7: {  	s6 =	sshll.u32 s26, $0x1;
	_ =	strace $0x80000046;
	[dreg:$0x1] =	wrdreg $0xFFFFFFFF  }
0xa8: {  	s28 =	simm.s32 $_size_execute0_lowered;
	s4 =	sadd.s32 s4, s6;
	[dreg:$0x0] =	wrdreg $0x0  }
0xa9: {  	s6 =	sshll.u32 s28, $0x1;
	[dreg:$0x2] =	wrdreg s4  }
0xaa: {  	[dreg:$0x3] =	wrdreg s6  }
0xab: {  	[dreg:$0x4] =	wrdreg $0xC0  }
0xac: {  	_ =	task [dreg:s8], $0x5FFFF  }
0xad: {  	[dreg:$0x1] =	wrdreg $0xFFFFFFFF  }
0xae: {  	[dreg:$0x0] =	wrdreg $0x60  }
0xaf: {  	[dreg:$0x2] =	wrdreg s24  }
0xb0: {  	[dreg:$0x3] =	wrdreg s2  }
0xb1: {  	[dreg:$0x4] =	wrdreg s18  }
0xb2: {  	[dreg:$0x5] =	wrdreg $0x9  }
0xb3: {  	_ =	task.clear_ibuf [dreg:s8], $0x6FFFF;
	_ =	strace $0x90000046  }
0xb4: {  	s29 =	simm.s32 $0x9;
	_ =	strace $0x80000048  }
0xb5: {  	_ =	swait.ge [sflag:s29], $0x1  }
0xb6: {  	[sflag:s29] =	ssyncadd.s32 $0xFFFFFFFF  }
0xb7: {  	_ =	strace $0x90000048  }
0xb8: {  	_ =	sfence  }
0xb9: {  	s30 =	sld [smem:$0x0];
	_ =	sdelay $0x2  }
0xba: {  	s31 =	sshll.u32 s1, $0xD;
	s1 =	sshrl.u32 s1, $0x2  }
0xbb: {  	s3 =	sand.u32 $0x4000, s31;
	s1 =	sadd.s32 s1, s30  }
0xbc: {  	s0 =	sor.u32 s3, s0;
	s1 =	sshll.u32 s1, $0x11  }
0xbd: {  	s0 =	sor.u32 s1, s0  }
0xbe: {  	s0 =	sadd.s32 $0x8F2B, s0  }
0xbf: {  	[sflag:s0] =	ssyncadd.remote.s32 $0x1  }
0xc0: {  	_ =	sfence.sel $0xFFFF  }
0xc1: {  	[dreg:$0x0] =	wrdreg $0xFFFFFFFF;
	(pc) =	sbr.abs _section_cstart, $3  }
0xc2: {  	[dreg:$0x1] =	wrdreg $0xFFFFFFFF  }
0xc3: {  	_ =	task.clear_ibuf [dreg:s8], $0x2FFFF;
	_ =	strace $0x9FFFFFFF  }
0xc4: {  	(tm) =	ssettm $0x7FFFFFFF  }
0xc5: {  	_ =	shalt  }
tec
execute0_lowered:
.L_overlay_start_1:
0x0: {  	(tag) =	ssettag $0x1  }
0x1: {  	s0 =	rddreg [dreg:$0x0]  }
0x2: {  	s2 =	rddreg [dreg:$0x1];
	s1 =	srdreg.scid  }
0x3: {  	s10 =	stileid.u32;
	s3 =	rddreg [dreg:$0x2]  }
0x4: {  	s4 =	simm.s32 $0x0;
	s1 =	sand.u32 $0x1, s1;
	s5 =	sshll.u32 s10, $0x1  }
0x5: {  	s29 =	simm.s32 $0x12400;
	s10 =	smul.u32 $0x190, s10;
	s5 =	sor.u32 s1, s5  }
0x6: {  	s30 =	simm.s32 $0x1;
	s28 =	simm.s32 $0x1A400;
	s6 =	smul.u32 $0xC80, s5  }
0x7: {  	s31 =	simm.s32 $0x3;
	[smem:$0x7FF] =	sst s4;
	s9 =	smul.u32 $0x64000, s5  }
0x8: {  	s7 =	ssub.s32 $0x2, s1;
	_ =	strace $0x80000047;
	s0 =	sadd.s32 s6, s0  }
0x9: {  	s1 =	smul.u32 $0xC8, s1;
	s6 =	sadd.s32 s3, s9;
	s0 =	sadd.s32 $0x400, s0  }
0xa: {  	s8 =	sshrl.u32 s7, $0x1;
	s11 =	sadd.s32 $0x800, s6;
	[dreg:$0x8] =	wrdreg s0  }
0xb: {  	s5 =	smul.u32 $0x320000, s5;
	s12 =	sadd.s32 $0x1000, s6;
	[dreg:$0x9] =	wrdreg s11  }
0xc: {  	s7 =	ssub.s32 s7, s8;
	s13 =	sadd.s32 $0x1800, s6;
	[dreg:$0xa] =	wrdreg s12  }
0xd: {  	s8 =	simm.s32 $0x5;
	s14 =	sadd.s32 $0x2000, s6;
	[dreg:$0xb] =	wrdreg s13  }
0xe: {  	s5 =	sshrl.u32 s5, $0x3;
	s15 =	sadd.s32 $0x2800, s6;
	[dreg:$0xc] =	wrdreg s14  }
0xf: {  	s9 =	simm.s32 $0x9;
	s5 =	sadd.s32 s3, s5;
	[dreg:$0xd] =	wrdreg s15  }
0x10: {  	s0 =	sadd.s32 s1, s10;
	s16 =	sadd.s32 $0x60000, s5;
	s17 =	sadd.s32 $0x60800, s5  }
0x11: {  	s18 =	sadd.s32 $0x61000, s5;
	s19 =	sadd.s32 $0x61800, s5;
	[dreg:$0xe] =	wrdreg s16  }
0x12: {  	s21 =	sadd.s32 $0x62000, s5;
	s23 =	sadd.s32 $0x62800, s5;
	[dreg:$0xf] =	wrdreg s17  }
0x13: {  	s25 =	sadd.s32 $0x63000, s5;
	s26 =	sadd.s32 $0x63800, s5;
	[dreg:$0x10] =	wrdreg s18  }
0x14: {  	s1 =	simm.s32 $0x16400;
	s5 =	simm.s32 $0x4;
	[dreg:$0x11] =	wrdreg s19  }
0x15: {  	s10 =	simm.s32 $0x6;
	s11 =	simm.s32 $0xA;
	[dreg:$0x12] =	wrdreg s21  }
0x16: {  	s12 =	simm.s32 $0xB;
	s13 =	simm.s32 $0xC;
	[dreg:$0x13] =	wrdreg s23  }
0x17: {  	s14 =	simm.s32 $0x0;
	s0 =	sshll.u32 s0, $0xB;
	[dreg:$0x14] =	wrdreg s25  }
0x18: {  	[dreg:$0x15] =	wrdreg s26;
	s21 =	simm.s32 $0xD;
	s20 =	sadd.s32 $0x4000, s0  }
0x19: {  	s23 =	simm.s32 $0x6400;
	s22 =	sor.u32 $0x3800, s0;
	[dreg:$0x4] =	wrdreg s20  }
0x1a: {  	s26 =	simm.s32 $0xE400;
	s24 =	sor.u32 $0x3000, s0;
	[dreg:$0x5] =	wrdreg s22  }
0x1b: {  	s25 =	simm.s32 $0x7;
	s0 =	sadd.s32 $0x5000, s0;
	[dreg:$0x6] =	wrdreg s24  }
0x1c: {  	s20 =	smax.u32 s7, $0x1;
	[dreg:$0x7] =	wrdreg s0;
	s22 =	simm.s32 $0x80  }
0x1d: {  	s24 =	simm.s32 $0xA400;
	s0 =	simm.s32 $0x2;
	s7 =	simm.s32 $0x8  }
.LBB2_1:
0x1e: {  	s15 =	rddreg [dreg:$0x8]  }
0x1f: {  	[tilespmem:s4], [sflag:$0xD] =	stream.linear.gather [hbm4b:s15+s4], $0x6400, $0x38;
	[tilespmem:$0x1E400] =	vst v63  }
0x20: {  	_ =	swait.ge [sflag:s21], $0x6400  }
0x21: {  	[sflag:s21] =	ssyncset.done $0x0  }
0x22: {  	[sflag:s21] =	ssyncadd.s32 $0xFFFF9C00  }
0x23: {  	[tilespmem:s23], [sflag:$0x1] =	stream.indirect.gather [hbm4b:s2+s22], $0x80, s4, s22, $0xb8;
	[tilespmem:$0x1E400] =	vst v63  }
0x24: {  	_ = 	snop  }
0x25: {  	[tilespmem:s24], [sflag:$0x2] =	stream.indirect.gather [hbm4b:s2+s22], $0x80, s22, s22, $0xb8;
	[tilespmem:$0x1E400] =	vst v63  }
0x26: {  	s17 =	simm.s32 $0x100  }
0x27: {  	[tilespmem:s26], [sflag:$0x3] =	stream.indirect.gather [hbm4b:s2+s22], $0x80, s17, s22, $0xb8;
	[tilespmem:$0x1E400] =	vst v63  }
0x28: {  	s18 =	simm.s32 $0x180  }
0x29: {  	[tilespmem:s29], [sflag:$0x4] =	stream.indirect.gather [hbm4b:s2+s22], $0x80, s18, s22, $0xb8;
	[tilespmem:$0x1E400] =	vst v63  }
0x2a: {  	_ =	swait.ge [sflag:s30], $0x4000  }
0x2b: {  	[sflag:s30] =	ssyncset.done $0x0  }
0x2c: {  	[sflag:s30] =	ssyncadd.s32 $0xFFFFC000  }
0x2d: {  	[hbm4b:s6+s4] =	stream.linear.scatter [tilespmem:s23], [sflag:$0x7], $0x4000, $0x38;
	[tilespmem:$0x1E400] =	vst v63  }
0x2e: {  	s19 =	simm.s32 $0x200  }
0x2f: {  	[tilespmem:s1], [sflag:$0x5] =	stream.indirect.gather [hbm4b:s2+s22], $0x80, s19, s22, $0xb8;
	[tilespmem:$0x1E400] =	vst v63  }
0x30: {  	_ =	swait.ge [sflag:s0], $0x4000  }
0x31: {  	[sflag:s0] =	ssyncset.done $0x0  }
0x32: {  	s16 =	rddreg [dreg:$0x9];
	[sflag:s0] =	ssyncadd.s32 $0xFFFFC000  }
0x33: {  	[hbm4b:s16+s4] =	stream.linear.scatter [tilespmem:s24], [sflag:$0x8], $0x4000, $0x38;
	[tilespmem:$0x1E400] =	vst v63  }
0x34: {  	s17 =	simm.s32 $0x280  }
0x35: {  	[tilespmem:s28], [sflag:$0x6] =	stream.indirect.gather [hbm4b:s2+s22], $0x80, s17, s22, $0xb8;
	[tilespmem:$0x1E400] =	vst v63  }
0x36: {  	_ =	swait.ge [sflag:s31], $0x4000  }
0x37: {  	[sflag:s31] =	ssyncset.done $0x0  }
0x38: {  	s18 =	rddreg [dreg:$0xa];
	[sflag:s31] =	ssyncadd.s32 $0xFFFFC000  }
0x39: {  	[hbm4b:s18+s4] =	stream.linear.scatter [tilespmem:s26], [sflag:$0x9], $0x4000, $0x38;
	[tilespmem:$0x1E400] =	vst v63  }
0x3a: {  	_ =	swait.ge [sflag:s25], $0x4000  }
0x3b: {  	[sflag:s25] =	ssyncset.done $0x0  }
0x3c: {  	s19 =	simm.s32 $0x300;
	[sflag:s25] =	ssyncadd.s32 $0xFFFFC000  }
0x3d: {  	[tilespmem:s23], [sflag:$0x1] =	stream.indirect.gather [hbm4b:s2+s22], $0x80, s19, s22, $0xb8;
	[tilespmem:$0x1E400] =	vst v63  }
0x3e: {  	_ =	swait.ge [sflag:s5], $0x4000  }
0x3f: {  	[sflag:s5] =	ssyncset.done $0x0  }
0x40: {  	s16 =	rddreg [dreg:$0xb];
	[sflag:s5] =	ssyncadd.s32 $0xFFFFC000  }
0x41: {  	[hbm4b:s16+s4] =	stream.linear.scatter [tilespmem:s29], [sflag:$0xA], $0x4000, $0x38;
	[tilespmem:$0x1E400] =	vst v63  }
0x42: {  	_ =	swait.ge [sflag:s7], $0x4000  }
0x43: {  	[sflag:s7] =	ssyncset.done $0x0  }
0x44: {  	s17 =	simm.s32 $0x380;
	[sflag:s7] =	ssyncadd.s32 $0xFFFFC000  }
0x45: {  	[tilespmem:s24], [sflag:$0x2] =	stream.indirect.gather [hbm4b:s2+s22], $0x80, s17, s22, $0xb8;
	[tilespmem:$0x1E400] =	vst v63  }
0x46: {  	_ =	swait.ge [sflag:s8], $0x4000  }
0x47: {  	[sflag:s8] =	ssyncset.done $0x0  }
0x48: {  	s18 =	rddreg [dreg:$0xc];
	[sflag:s8] =	ssyncadd.s32 $0xFFFFC000  }
0x49: {  	[hbm4b:s18+s4] =	stream.linear.scatter [tilespmem:s1], [sflag:$0xB], $0x4000, $0x38;
	[tilespmem:$0x1E400] =	vst v63  }
0x4a: {  	_ =	swait.ge [sflag:s9], $0x4000  }
0x4b: {  	[sflag:s9] =	ssyncset.done $0x0  }
0x4c: {  	s19 =	simm.s32 $0x400;
	[sflag:s9] =	ssyncadd.s32 $0xFFFFC000  }
0x4d: {  	[tilespmem:s26], [sflag:$0x3] =	stream.indirect.gather [hbm4b:s2+s22], $0x80, s19, s22, $0xb8;
	[tilespmem:$0x1E400] =	vst v63  }
0x4e: {  	_ =	swait.ge [sflag:s10], $0x4000  }
0x4f: {  	[sflag:s10] =	ssyncset.done $0x0  }
0x50: {  	s16 =	rddreg [dreg:$0xd];
	[sflag:s10] =	ssyncadd.s32 $0xFFFFC000  }
0x51: {  	[hbm4b:s16+s4] =	stream.linear.scatter [tilespmem:s28], [sflag:$0xC], $0x4000, $0x38;
	[tilespmem:$0x1E400] =	vst v63  }
0x52: {  	_ =	swait.ge [sflag:s11], $0x4000  }
0x53: {  	[sflag:s11] =	ssyncset.done $0x0  }
0x54: {  	s17 =	simm.s32 $0x480;
	[sflag:s11] =	ssyncadd.s32 $0xFFFFC000  }
0x55: {  	[tilespmem:s29], [sflag:$0x4] =	stream.indirect.gather [hbm4b:s2+s22], $0x80, s17, s22, $0xb8;
	[tilespmem:$0x1E400] =	vst v63  }
0x56: {  	_ =	swait.ge [sflag:s30], $0x4000  }
0x57: {  	s18 =	rddreg [dreg:$0x6];
	[sflag:s30] =	ssyncset.done $0x0  }
0x58: {  	[sflag:s30] =	ssyncadd.s32 $0xFFFFC000;
	s15 =	sadd.s32 s3, s18  }
0x59: {  	[hbm4b:s15+s4] =	stream.linear.scatter [tilespmem:s23], [sflag:$0x7], $0x4000, $0x38;
	[tilespmem:$0x1E400] =	vst v63  }
0x5a: {  	_ =	swait.ge [sflag:s12], $0x4000  }
0x5b: {  	[sflag:s12] =	ssyncset.done $0x0  }
0x5c: {  	s19 =	simm.s32 $0x500;
	[sflag:s12] =	ssyncadd.s32 $0xFFFFC000  }
0x5d: {  	[tilespmem:s1], [sflag:$0x5] =	stream.indirect.gather [hbm4b:s2+s22], $0x80, s19, s22, $0xb8;
	[tilespmem:$0x1E400] =	vst v63  }
0x5e: {  	_ =	swait.ge [sflag:s0], $0x4000  }
0x5f: {  	s16 =	rddreg [dreg:$0x5];
	[sflag:s0] =	ssyncset.done $0x0  }
0x60: {  	[sflag:s0] =	ssyncadd.s32 $0xFFFFC000;
	s15 =	sadd.s32 s3, s16  }
0x61: {  	[hbm4b:s15+s4] =	stream.linear.scatter [tilespmem:s24], [sflag:$0x8], $0x4000, $0x38;
	[tilespmem:$0x1E400] =	vst v63  }
0x62: {  	_ =	swait.ge [sflag:s13], $0x4000  }
0x63: {  	[sflag:s13] =	ssyncset.done $0x0  }
0x64: {  	s17 =	simm.s32 $0x580;
	[sflag:s13] =	ssyncadd.s32 $0xFFFFC000  }
0x65: {  	[tilespmem:s28], [sflag:$0x6] =	stream.indirect.gather [hbm4b:s2+s22], $0x80, s17, s22, $0xb8;
	[tilespmem:$0x1E400] =	vst v63  }
0x66: {  	_ =	swait.ge [sflag:s31], $0x4000  }
0x67: {  	s18 =	rddreg [dreg:$0x4];
	[sflag:s31] =	ssyncset.done $0x0  }
0x68: {  	[sflag:s31] =	ssyncadd.s32 $0xFFFFC000;
	s15 =	sadd.s32 s3, s18  }
0x69: {  	[hbm4b:s15+s4] =	stream.linear.scatter [tilespmem:s26], [sflag:$0x9], $0x4000, $0x38;
	[tilespmem:$0x1E400] =	vst v63  }
0x6a: {  	_ =	swait.ge [sflag:s25], $0x4000  }
0x6b: {  	[sflag:s25] =	ssyncset.done $0x0  }
0x6c: {  	s16 =	simm.s32 $0x600;
	[sflag:s25] =	ssyncadd.s32 $0xFFFFC000  }
0x6d: {  	[tilespmem:s23], [sflag:$0x1] =	stream.indirect.gather [hbm4b:s2+s22], $0x80, s16, s22, $0xb8;
	[tilespmem:$0x1E400] =	vst v63  }
0x6e: {  	_ =	swait.ge [sflag:s5], $0x4000  }
0x6f: {  	[sflag:s5] =	ssyncset.done $0x0  }
0x70: {  	s19 =	sadd.s32 $0x800, s15;
	[sflag:s5] =	ssyncadd.s32 $0xFFFFC000  }
0x71: {  	[hbm4b:s19+s4] =	stream.linear.scatter [tilespmem:s29], [sflag:$0xA], $0x4000, $0x38;
	[tilespmem:$0x1E400] =	vst v63  }
0x72: {  	_ =	swait.ge [sflag:s7], $0x4000  }
0x73: {  	[sflag:s7] =	ssyncset.done $0x0  }
0x74: {  	s17 =	simm.s32 $0x680;
	[sflag:s7] =	ssyncadd.s32 $0xFFFFC000  }
0x75: {  	[tilespmem:s24], [sflag:$0x2] =	stream.indirect.gather [hbm4b:s2+s22], $0x80, s17, s22, $0xb8;
	[tilespmem:$0x1E400] =	vst v63  }
0x76: {  	_ =	swait.ge [sflag:s8], $0x4000  }
0x77: {  	s18 =	rddreg [dreg:$0x7];
	[sflag:s8] =	ssyncset.done $0x0  }
0x78: {  	[sflag:s8] =	ssyncadd.s32 $0xFFFFC000;
	s16 =	sadd.s32 s3, s18  }
0x79: {  	[hbm4b:s16+s4] =	stream.linear.scatter [tilespmem:s1], [sflag:$0xB], $0x4000, $0x38;
	[tilespmem:$0x1E400] =	vst v63  }
0x7a: {  	_ =	swait.ge [sflag:s9], $0x4000  }
0x7b: {  	[sflag:s9] =	ssyncset.done $0x0  }
0x7c: {  	s19 =	simm.s32 $0x700;
	[sflag:s9] =	ssyncadd.s32 $0xFFFFC000  }
0x7d: {  	[tilespmem:s26], [sflag:$0x3] =	stream.indirect.gather [hbm4b:s2+s22], $0x80, s19, s22, $0xb8;
	[tilespmem:$0x1E400] =	vst v63  }
0x7e: {  	_ =	swait.ge [sflag:s10], $0x4000  }
0x7f: {  	[sflag:s10] =	ssyncset.done $0x0  }
0x80: {  	s15 =	sadd.s32 $0x1800, s15;
	[sflag:s10] =	ssyncadd.s32 $0xFFFFC000  }
0x81: {  	[hbm4b:s15+s4] =	stream.linear.scatter [tilespmem:s28], [sflag:$0xC], $0x4000, $0x38;
	[tilespmem:$0x1E400] =	vst v63  }
0x82: {  	_ =	swait.ge [sflag:s11], $0x4000  }
0x83: {  	s17 =	simm.s32 $0x780;
	[sflag:s11] =	ssyncset.done $0x0  }
0x84: {  	s16 =	sadd.s32 $0x3000, s3;
	s15 =	simm.s32 $0xC00;
	[sflag:s11] =	ssyncadd.s32 $0xFFFFC000  }
.LBB2_2:
0x85: {  	[tilespmem:s29], [sflag:$0x4] =	stream.indirect.gather [hbm4b:s2+s22], $0x80, s17, s22, $0xb8;
	[tilespmem:$0x1E400] =	vst v63  }
0x86: {  	_ =	swait.ge [sflag:s30], $0x4000  }
0x87: {  	s18 =	rddreg [dreg:$0x6];
	[sflag:s30] =	ssyncset.done $0x0  }
0x88: {  	[sflag:s30] =	ssyncadd.s32 $0xFFFFC000;
	s18 =	sadd.s32 s16, s18  }
0x89: {  	[hbm4b:s18+s4] =	stream.linear.scatter [tilespmem:s23], [sflag:$0x7], $0x4000, $0x38;
	[tilespmem:$0x1E400] =	vst v63  }
0x8a: {  	s19 =	smov.u32 s15;
	_ =	swait.ge [sflag:s12], $0x4000  }
0x8b: {  	s17 =	sshra.s32 s19, $0x2;
	[sflag:s12] =	ssyncset.done $0x0  }
0x8c: {  	s19 =	sadd.s32 $0x500, s17;
	[sflag:s12] =	ssyncadd.s32 $0xFFFFC000  }
0x8d: {  	[tilespmem:s1], [sflag:$0x5] =	stream.indirect.gather [hbm4b:s2+s22], $0x80, s19, s22, $0xb8;
	[tilespmem:$0x1E400] =	vst v63  }
0x8e: {  	_ =	swait.ge [sflag:s0], $0x4000  }
0x8f: {  	s19 =	rddreg [dreg:$0x5];
	[sflag:s0] =	ssyncset.done $0x0  }
0x90: {  	[sflag:s0] =	ssyncadd.s32 $0xFFFFC000;
	s18 =	sadd.s32 s16, s19  }
0x91: {  	[hbm4b:s18+s4] =	stream.linear.scatter [tilespmem:s24], [sflag:$0x8], $0x4000, $0x38;
	[tilespmem:$0x1E400] =	vst v63  }
0x92: {  	_ =	swait.ge [sflag:s13], $0x4000  }
0x93: {  	[sflag:s13] =	ssyncset.done $0x0  }
0x94: {  	s19 =	sadd.s32 $0x580, s17;
	[sflag:s13] =	ssyncadd.s32 $0xFFFFC000  }
0x95: {  	[tilespmem:s28], [sflag:$0x6] =	stream.indirect.gather [hbm4b:s2+s22], $0x80, s19, s22, $0xb8;
	[tilespmem:$0x1E400] =	vst v63  }
0x96: {  	_ =	swait.ge [sflag:s31], $0x4000  }
0x97: {  	s19 =	rddreg [dreg:$0x4];
	[sflag:s31] =	ssyncset.done $0x0  }
0x98: {  	[sflag:s31] =	ssyncadd.s32 $0xFFFFC000;
	s18 =	sadd.s32 s16, s19  }
0x99: {  	[hbm4b:s18+s4] =	stream.linear.scatter [tilespmem:s26], [sflag:$0x9], $0x4000, $0x38;
	[tilespmem:$0x1E400] =	vst v63  }
0x9a: {  	_ =	swait.ge [sflag:s25], $0x4000  }
0x9b: {  	[sflag:s25] =	ssyncset.done $0x0  }
0x9c: {  	s19 =	sadd.s32 $0x600, s17;
	[sflag:s25] =	ssyncadd.s32 $0xFFFFC000  }
0x9d: {  	[tilespmem:s23], [sflag:$0x1] =	stream.indirect.gather [hbm4b:s2+s22], $0x80, s19, s22, $0xb8;
	[tilespmem:$0x1E400] =	vst v63  }
0x9e: {  	_ =	swait.ge [sflag:s5], $0x4000  }
0x9f: {  	[sflag:s5] =	ssyncset.done $0x0  }
0xa0: {  	s19 =	sadd.s32 $0x800, s18;
	[sflag:s5] =	ssyncadd.s32 $0xFFFFC000  }
0xa1: {  	[hbm4b:s19+s4] =	stream.linear.scatter [tilespmem:s29], [sflag:$0xA], $0x4000, $0x38;
	[tilespmem:$0x1E400] =	vst v63  }
0xa2: {  	_ =	swait.ge [sflag:s7], $0x4000  }
0xa3: {  	[sflag:s7] =	ssyncset.done $0x0  }
0xa4: {  	s19 =	sadd.s32 $0x680, s17;
	[sflag:s7] =	ssyncadd.s32 $0xFFFFC000  }
0xa5: {  	[tilespmem:s24], [sflag:$0x2] =	stream.indirect.gather [hbm4b:s2+s22], $0x80, s19, s22, $0xb8;
	[tilespmem:$0x1E400] =	vst v63  }
0xa6: {  	_ =	swait.ge [sflag:s8], $0x4000  }
0xa7: {  	s19 =	rddreg [dreg:$0x7];
	[sflag:s8] =	ssyncset.done $0x0  }
0xa8: {  	[sflag:s8] =	ssyncadd.s32 $0xFFFFC000;
	s19 =	sadd.s32 s16, s19  }
0xa9: {  	[hbm4b:s19+s4] =	stream.linear.scatter [tilespmem:s1], [sflag:$0xB], $0x4000, $0x38;
	[tilespmem:$0x1E400] =	vst v63  }
0xaa: {  	_ =	swait.ge [sflag:s9], $0x4000  }
0xab: {  	[sflag:s9] =	ssyncset.done $0x0  }
0xac: {  	s19 =	sadd.s32 $0x700, s17;
	[sflag:s9] =	ssyncadd.s32 $0xFFFFC000  }
0xad: {  	[tilespmem:s26], [sflag:$0x3] =	stream.indirect.gather [hbm4b:s2+s22], $0x80, s19, s22, $0xb8;
	[tilespmem:$0x1E400] =	vst v63  }
0xae: {  	_ =	swait.ge [sflag:s10], $0x4000  }
0xaf: {  	p0 =	sne.s32 s15, $0x16800;
	[sflag:s10] =	ssyncset.done $0x0  }
.Ltmp0:
0xb0: {  	s18 =	sadd.s32 $0x1800, s18;
	[sflag:s10] =	ssyncadd.s32 $0xFFFFC000;
	(pc) =	sbr.rel @p0 .LBB2_2-.Ltmp0, $4  }
0xb1: {  	[hbm4b:s18+s4] =	stream.linear.scatter [tilespmem:s28], [sflag:$0xC], $0x4000, $0x38;
	[tilespmem:$0x1E400] =	vst v63  }
0xb2: {  	_ =	swait.ge [sflag:s11], $0x4000  }
0xb3: {  	s15 =	sadd.s32 $0xC00, s15;
	[sflag:s11] =	ssyncset.done $0x0  }
0xb4: {  	s16 =	sadd.s32 $0x3000, s16;
	s17 =	sadd.s32 $0x780, s17;
	[sflag:s11] =	ssyncadd.s32 $0xFFFFC000  }
0xb5: {  	[tilespmem:s29], [sflag:$0x4] =	stream.indirect.gather [hbm4b:s2+s22], $0x80, s17, s22, $0xb8;
	[tilespmem:$0x1E400] =	vst v63  }
0xb6: {  	_ =	swait.ge [sflag:s30], $0x4000  }
0xb7: {  	[sflag:s30] =	ssyncset.done $0x0  }
0xb8: {  	s15 =	rddreg [dreg:$0xe];
	[sflag:s30] =	ssyncadd.s32 $0xFFFFC000  }
0xb9: {  	[hbm4b:s15+s4] =	stream.linear.scatter [tilespmem:s23], [sflag:$0x7], $0x4000, $0x38;
	[tilespmem:$0x1E400] =	vst v63  }
0xba: {  	_ =	swait.ge [sflag:s12], $0x4000  }
0xbb: {  	[sflag:s12] =	ssyncset.done $0x0  }
0xbc: {  	s17 =	simm.s32 $0x6200;
	[sflag:s12] =	ssyncadd.s32 $0xFFFFC000  }
0xbd: {  	[tilespmem:s1], [sflag:$0x5] =	stream.indirect.gather [hbm4b:s2+s22], $0x80, s17, s22, $0xb8;
	[tilespmem:$0x1E400] =	vst v63  }
0xbe: {  	_ =	swait.ge [sflag:s0], $0x4000  }
0xbf: {  	[sflag:s0] =	ssyncset.done $0x0  }
0xc0: {  	s18 =	rddreg [dreg:$0xf];
	[sflag:s0] =	ssyncadd.s32 $0xFFFFC000  }
0xc1: {  	[hbm4b:s18+s4] =	stream.linear.scatter [tilespmem:s24], [sflag:$0x8], $0x4000, $0x38;
	[tilespmem:$0x1E400] =	vst v63  }
0xc2: {  	_ =	swait.ge [sflag:s13], $0x4000  }
0xc3: {  	[sflag:s13] =	ssyncset.done $0x0  }
0xc4: {  	s19 =	simm.s32 $0x6280;
	[sflag:s13] =	ssyncadd.s32 $0xFFFFC000  }
0xc5: {  	[tilespmem:s28], [sflag:$0x6] =	stream.indirect.gather [hbm4b:s2+s22], $0x80, s19, s22, $0xb8;
	[tilespmem:$0x1E400] =	vst v63  }
0xc6: {  	_ =	swait.ge [sflag:s31], $0x4000  }
0xc7: {  	[sflag:s31] =	ssyncset.done $0x0  }
0xc8: {  	s16 =	rddreg [dreg:$0x10];
	[sflag:s31] =	ssyncadd.s32 $0xFFFFC000  }
0xc9: {  	[hbm4b:s16+s4] =	stream.linear.scatter [tilespmem:s26], [sflag:$0x9], $0x4000, $0x38;
	[tilespmem:$0x1E400] =	vst v63  }
0xca: {  	_ =	swait.ge [sflag:s25], $0x4000  }
0xcb: {  	[sflag:s25] =	ssyncset.done $0x0  }
0xcc: {  	s17 =	simm.s32 $0x6300;
	[sflag:s25] =	ssyncadd.s32 $0xFFFFC000  }
0xcd: {  	[tilespmem:s23], [sflag:$0x1] =	stream.indirect.gather [hbm4b:s2+s22], $0x80, s17, s22, $0xb8;
	[tilespmem:$0x1E400] =	vst v63  }
0xce: {  	_ =	swait.ge [sflag:s5], $0x4000  }
0xcf: {  	[sflag:s5] =	ssyncset.done $0x0  }
0xd0: {  	s18 =	rddreg [dreg:$0x11];
	[sflag:s5] =	ssyncadd.s32 $0xFFFFC000  }
0xd1: {  	[hbm4b:s18+s4] =	stream.linear.scatter [tilespmem:s29], [sflag:$0xA], $0x4000, $0x38;
	[tilespmem:$0x1E400] =	vst v63  }
0xd2: {  	_ =	swait.ge [sflag:s7], $0x4000  }
0xd3: {  	[sflag:s7] =	ssyncset.done $0x0  }
0xd4: {  	s19 =	simm.s32 $0x6380;
	[sflag:s7] =	ssyncadd.s32 $0xFFFFC000  }
0xd5: {  	[tilespmem:s24], [sflag:$0x2] =	stream.indirect.gather [hbm4b:s2+s22], $0x80, s19, s22, $0xb8;
	[tilespmem:$0x1E400] =	vst v63  }
0xd6: {  	_ =	swait.ge [sflag:s8], $0x4000  }
0xd7: {  	[sflag:s8] =	ssyncset.done $0x0  }
0xd8: {  	s16 =	rddreg [dreg:$0x12];
	[sflag:s8] =	ssyncadd.s32 $0xFFFFC000  }
0xd9: {  	[hbm4b:s16+s4] =	stream.linear.scatter [tilespmem:s1], [sflag:$0xB], $0x4000, $0x38;
	[tilespmem:$0x1E400] =	vst v63  }
0xda: {  	_ =	swait.ge [sflag:s10], $0x4000  }
0xdb: {  	[sflag:s10] =	ssyncset.done $0x0  }
0xdc: {  	s17 =	rddreg [dreg:$0x13];
	[sflag:s10] =	ssyncadd.s32 $0xFFFFC000  }
0xdd: {  	[hbm4b:s17+s4] =	stream.linear.scatter [tilespmem:s28], [sflag:$0xC], $0x4000, $0x38;
	[tilespmem:$0x1E400] =	vst v63  }
0xde: {  	_ =	swait.ge [sflag:s30], $0x4000  }
0xdf: {  	[sflag:s30] =	ssyncset.done $0x0  }
0xe0: {  	s18 =	rddreg [dreg:$0x14];
	[sflag:s30] =	ssyncadd.s32 $0xFFFFC000  }
0xe1: {  	[hbm4b:s18+s4] =	stream.linear.scatter [tilespmem:s23], [sflag:$0x7], $0x4000, $0x38;
	[tilespmem:$0x1E400] =	vst v63  }
0xe2: {  	_ =	swait.ge [sflag:s0], $0x4000  }
0xe3: {  	[sflag:s0] =	ssyncset.done $0x0  }
0xe4: {  	s19 =	rddreg [dreg:$0x15];
	[sflag:s0] =	ssyncadd.s32 $0xFFFFC000  }
0xe5: {  	[hbm4b:s19+s4] =	stream.linear.scatter [tilespmem:s24], [sflag:$0x8], $0x4000, $0x38;
	[tilespmem:$0x1E400] =	vst v63  }
0xe6: {  	_ =	swait.ge [sflag:s9], $0x4000  }
0xe7: {  	[sflag:s9] =	ssyncset.done $0x0  }
0xe8: {  	[sflag:s9] =	ssyncadd.s32 $0xFFFFC000  }
0xe9: {  	_ =	swait.ge [sflag:s11], $0x4000  }
0xea: {  	[sflag:s11] =	ssyncset.done $0x0  }
0xeb: {  	[sflag:s11] =	ssyncadd.s32 $0xFFFFC000  }
0xec: {  	_ =	swait.ge [sflag:s12], $0x4000  }
0xed: {  	[sflag:s12] =	ssyncset.done $0x0  }
0xee: {  	[sflag:s12] =	ssyncadd.s32 $0xFFFFC000  }
0xef: {  	_ =	swait.ge [sflag:s13], $0x4000  }
0xf0: {  	[sflag:s13] =	ssyncset.done $0x0  }
0xf1: {  	s14 =	sadd.s32 $0x1, s14;
	[sflag:s13] =	ssyncadd.s32 $0xFFFFC000  }
0xf2: {  	p0 =	sne.s32 s14, s20;
	_ =	swait.ge [sflag:s25], $0x4000  }
.Ltmp1:
0xf3: {  	[sflag:s25] =	ssyncset.done $0x0;
	(pc) =	sbr.rel @p0 .LBB2_1-.Ltmp1, $4  }
0xf4: {  	[sflag:s25] =	ssyncadd.s32 $0xFFFFC000  }
0xf5: {  	_ =	swait.ge [sflag:s7], $0x4000  }
0xf6: {  	[sflag:s7] =	ssyncset.done $0x0  }
0xf7: {  	[sflag:s7] =	ssyncadd.s32 $0xFFFFC000  }
0xf8: {  	_ =	sfence.sel $0x180000  }
0xf9: {  	[bflag:$0x0] =	sbarrier.arrive $0xFFFF  }
0xfa: {  	_ =	strace $0x90000047  }
0xfb: {  	s0 =	stileid.u32;
	[bflag:$0x2] =	sbarrier.arrive $0xFFFF  }
0xfc: {  	p0 =	sne.s32 s0, $0x0;
	s0 =	rddreg [dreg:$0x3]  }
0xfd: {  	s0 =	sadd.s32 @!p0 $0x100000, s0  }
0xfe: {  	[sflag:s0] =	ssyncadd.tile.s32 @!p0 $0x1;
	_ =	shalt  }
.Lfunc_end2:
_tile_overlayer_lowered:
.L_overlay_start_2:
0xff: {  	(tag) =	ssettag $0x2  }
0x100: {  	s0 =	rddreg [dreg:$0x0];
	s2 =	stileid.u32  }
0x101: {  	s1 =	rddreg [dreg:$0x1];
	p0 =	sne.s32 s2, $0x0  }
0x102: {  	s3 =	rddreg [dreg:$0x2];
	[bflag:$0x3] =	sbarrier.arrive $0xFFFF;
	s2 =	simm.s32 @!p0 $0x1C0D  }
0x103: {  	[timem:s3], [sflag:s2] =	dma.local @!p0 [hbm:s0], s1  }
0x104: {  	s0 =	simm.s32 @!p0 $0xD  }
0x105: {  	_ =	swait.ge @!p0 [sflag:s0], s1  }
0x106: {  	s1 =	ssub.s32 @!p0 $0x0, s1;
	[sflag:s0] =	ssyncset.done @!p0 $0x0  }
0x107: {  	[sflag:s0] =	ssyncadd.s32 @!p0 s1  }
0x108: {  	[bflag:$0x3] =	sbarrier.arrive $0xFFFF  }
0x109: {  	_ =	shalt  }

</sc_bundles>
